<compile_context>
chip_gen: v7x
topology: tpu7x:2x2x1
jax: 0.10.2.dev20260603
libtpu: 0.0.44.dev20260713+nightly
codegen_flags: <defaults>
</compile_context>

<pallas_src>
import functools

import jax
import jax.numpy as jnp
from jax.experimental import pallas as pl
from jax.experimental.pallas import tpu as pltpu
from jax.experimental.pallas import tpu_sc as plsc

LANES = 128


def _route_body(x_ref, wgp_ref, bgp_ref, g_ref, posi_ref, wa_ref, wb_ref,
                meta_ref, cnt_sc, run_sc, off_sc, gates_sc, *, n_exp, tmb):
    p = pl.program_id(0)
    t = pl.program_id(1)
    tm = x_ref.shape[0]
    lanes = jax.lax.broadcasted_iota(jnp.int32, (tm, LANES), 1)

    def top2(gates):
        m1 = jnp.max(gates, axis=1, keepdims=True)
        i1 = jnp.min(jnp.where(gates == m1, lanes, LANES), axis=1,
                     keepdims=True)
        oh1 = lanes == i1
        rest = jnp.where(oh1, -1.0, gates)
        m2v = jnp.max(rest, axis=1, keepdims=True)
        i2 = jnp.min(jnp.where(rest == m2v, lanes, LANES), axis=1,
                     keepdims=True)
        oh2 = lanes == i2
        oh1f = oh1.astype(jnp.float32)
        oh2f = oh2.astype(jnp.float32)
        ohsum = oh1f + oh2f
        tile_cnt = jnp.sum(ohsum, axis=0, keepdims=True)
        return m1, oh1, oh1f, m2v, oh2, oh2f, ohsum, tile_cnt

    @pl.when(p == 0)
    def _pass0():
        logits = jnp.dot(x_ref[...], wgp_ref[...],
                         preferred_element_type=jnp.float32) + bgp_ref[...]
        mx = jnp.max(logits, axis=1, keepdims=True)
        ex = jnp.exp(logits - mx)
        gates = ex / jnp.sum(ex, axis=1, keepdims=True)
        gates_sc[pl.ds(t * tm, tm)] = gates
        _, _, _, _, _, _, _, tile_cnt = top2(gates)

        @pl.when(t == 0)
        def _init():
            cnt_sc[...] = tile_cnt
            meta_ref[...] = jnp.zeros_like(meta_ref)

        @pl.when(t > 0)
        def _count():
            cnt_sc[...] += tile_cnt

    @pl.when(p == 1)
    def _pass1():
        gates = gates_sc[pl.ds(t * tm, tm)]
        m1, oh1, oh1f, m2v, oh2, oh2f, ohsum, tile_cnt = top2(gates)

        @pl.when(t == 0)
        def _offsets():
            cr = jax.lax.broadcasted_iota(jnp.int32, (LANES, LANES), 0)
            cc = jax.lax.broadcasted_iota(jnp.int32, (LANES, LANES), 1)
            upper = (cr < cc).astype(jnp.float32)
            cntp = jnp.ceil(cnt_sc[...] / tmb) * tmb
            off_sc[...] = jnp.dot(cntp, upper,
                                  preferred_element_type=jnp.float32,
                                  precision=jax.lax.Precision.HIGHEST)
            run_sc[...] = off_sc[...]

        s = m1 + m2v + 1e-12
        gm = jnp.where(oh1, m1 / s, 0.0) + jnp.where(oh2, m2v / s, 0.0)
        rr = jax.lax.broadcasted_iota(jnp.int32, (tm, tm), 0)
        rc = jax.lax.broadcasted_iota(jnp.int32, (tm, tm), 1)
        lstrict = (rc < rr).astype(jnp.float32)
        csum = jnp.dot(lstrict, ohsum, preferred_element_type=jnp.float32,
                       precision=jax.lax.Precision.HIGHEST)
        base = run_sc[...] + csum
        pos0 = jnp.sum(base * oh1f, axis=1, keepdims=True).astype(jnp.int32)
        pos1 = jnp.sum(base * oh2f, axis=1, keepdims=True).astype(jnp.int32)
        g_ref[...] = gm
        posi_ref[...] = jnp.where(lanes == 0, pos0,
                                  jnp.where(lanes == 1, pos1, 0))
        wa_ref[...] = jnp.broadcast_to(m1 / s, wa_ref.shape)
        wb_ref[...] = jnp.broadcast_to(m2v / s, wb_ref.shape)
        run_sc[...] += tile_cnt

    @pl.when((p == 1) & (t == pl.num_programs(1) - 1))
    def _meta():
        off = off_sc[...]
        cntp = jnp.ceil(cnt_sc[...] / tmb) * tmb
        ntile_row = cntp / tmb
        tstart_row = off / tmb
        tnext_row = tstart_row + ntile_row
        row8 = jax.lax.broadcasted_iota(jnp.int32, (8, LANES), 0)
        lane8 = jax.lax.broadcasted_iota(jnp.int32, (8, LANES), 1)
        diag = (lane8 == row8).astype(jnp.float32)
        tstart_col = jnp.sum(jnp.broadcast_to(tstart_row, (8, LANES)) * diag,
                             axis=1, keepdims=True)
        tnext_col = jnp.sum(jnp.broadcast_to(tnext_row, (8, LANES)) * diag,
                            axis=1, keepdims=True)
        lanef8 = lane8.astype(jnp.float32)
        belongs = ((lanef8 >= tstart_col) & (lanef8 < tnext_col)
                   & (row8 < n_exp))
        etask = jnp.sum(jnp.where(belongs, row8.astype(jnp.float32), 0.0),
                        axis=0, keepdims=True)
        tot = jnp.sum(ntile_row, axis=1, keepdims=True)
        lane1 = jax.lax.broadcasted_iota(jnp.int32, (1, LANES), 1)
        lanef1 = lane1.astype(jnp.float32)
        elast = jnp.max(jnp.where(cnt_sc[...] > 0, lanef1, 0.0),
                        axis=1, keepdims=True)
        validr = lanef1 < tot
        etaskf = jnp.where(validr, etask, elast)
        metam = jnp.where(
            row8 == 0, jnp.broadcast_to(etaskf, (8, LANES)),
            jnp.where(row8 == 1,
                      jnp.broadcast_to(validr.astype(jnp.float32), (8, LANES)),
                      0.0))
        meta_ref[...] = metam.astype(jnp.int32)


def _route(x, wgp, bgp, n_exp, tmb):
    b, d = x.shape
    tma = min(1024, b)
    body = functools.partial(_route_body, n_exp=n_exp, tmb=tmb)
    return pl.pallas_call(
        body,
        grid=(2, b // tma),
        in_specs=[
            pl.BlockSpec((tma, d), lambda p, t: ((1 - p) * t, 0)),
            pl.BlockSpec((d, LANES), lambda p, t: (0, 0)),
            pl.BlockSpec((1, LANES), lambda p, t: (0, 0)),
        ],
        out_specs=[
            pl.BlockSpec((tma, LANES), lambda p, t: (t, 0)),
            pl.BlockSpec((tma, LANES), lambda p, t: (t, 0)),
            pl.BlockSpec((tma, 16), lambda p, t: (t, 0)),
            pl.BlockSpec((tma, 16), lambda p, t: (t, 0)),
            pl.BlockSpec((8, LANES), lambda p, t: (0, 0)),
        ],
        out_shape=[
            jax.ShapeDtypeStruct((b, LANES), jnp.float32),
            jax.ShapeDtypeStruct((b, LANES), jnp.int32),
            jax.ShapeDtypeStruct((b, 16), jnp.float32),
            jax.ShapeDtypeStruct((b, 16), jnp.float32),
            jax.ShapeDtypeStruct((8, LANES), jnp.int32),
        ],
        scratch_shapes=[
            pltpu.VMEM((1, LANES), jnp.float32),
            pltpu.VMEM((1, LANES), jnp.float32),
            pltpu.VMEM((1, LANES), jnp.float32),
            pltpu.VMEM((b, LANES), jnp.float32),
        ],
        compiler_params=pltpu.CompilerParams(
            dimension_semantics=("arbitrary", "arbitrary")),
    )(x, wgp, bgp)


def _sc_scatter(x2, pos0, pos1, nrows):
    b, d = x2.shape
    nw = 32
    chunk = b // nw
    sub = 32
    nsub = chunk // sub
    mesh = plsc.VectorSubcoreMesh(core_axis_name="c", subcore_axis_name="s")

    @functools.partial(
        pl.kernel, mesh=mesh,
        out_type=jax.ShapeDtypeStruct((nrows, d), jnp.float32),
        scratch_types=[
            pltpu.VMEM((sub, d), jnp.float32),
            pltpu.VMEM((sub,), jnp.int32),
            pltpu.VMEM((sub,), jnp.int32),
            pltpu.SemaphoreType.DMA,
        ],
    )
    def scat(x_hbm, p0_hbm, p1_hbm, xs_hbm, rows_v, i0_v, i1_v, sem):
        wid = jax.lax.axis_index("s") * 2 + jax.lax.axis_index("c")
        base = wid * chunk

        def body(si, _):
            off = base + si * sub
            pltpu.sync_copy(x_hbm.at[pl.ds(off, sub)], rows_v)
            pltpu.sync_copy(p0_hbm.at[pl.ds(off, sub)], i0_v)
            pltpu.sync_copy(p1_hbm.at[pl.ds(off, sub)], i1_v)
            cp0 = pltpu.async_copy(rows_v, xs_hbm.at[i0_v], sem)
            cp1 = pltpu.async_copy(rows_v, xs_hbm.at[i1_v], sem)
            cp0.wait()
            cp1.wait()
            return ()

        jax.lax.fori_loop(0, nsub, body, ())

    return scat(x2, pos0, pos1)


def _gmm_body(meta_ref, xs_ref, w1_ref, b1_ref, w2_ref, b2_ref, out_ref):
    t = pl.program_id(0)

    @pl.when(meta_ref[1, t] == 1)
    def _compute():
        acc = jnp.dot(xs_ref[...], w1_ref[0],
                      preferred_element_type=jnp.float32)
        h = jnp.maximum(acc + b1_ref[0], 0.0)
        out_ref[...] = (jnp.dot(h, w2_ref[0],
                                preferred_element_type=jnp.float32)
                        + b2_ref[0])


def _gmm(meta, xs2, w1r, b1r, w2q, b2q, tmb):
    nrows, d = xs2.shape
    h = w1r.shape[2]
    ov = w2q.shape[2]
    nt = nrows // tmb
    return pl.pallas_call(
        _gmm_body,
        grid_spec=pltpu.PrefetchScalarGridSpec(
            num_scalar_prefetch=1,
            grid=(nt,),
            in_specs=[
                pl.BlockSpec((tmb, d), lambda t, meta: (t, 0)),
                pl.BlockSpec((1, d, h),
                             lambda t, meta: (meta[0, t], 0, 0)),
                pl.BlockSpec((1, 1, h), lambda t, meta: (meta[0, t], 0, 0)),
                pl.BlockSpec((1, h, ov), lambda t, meta: (meta[0, t], 0, 0)),
                pl.BlockSpec((1, 1, ov), lambda t, meta: (meta[0, t], 0, 0)),
            ],
            out_specs=pl.BlockSpec((tmb, ov), lambda t, meta: (t, 0)),
        ),
        out_shape=jax.ShapeDtypeStruct((nrows, ov), jnp.float32),
        compiler_params=pltpu.CompilerParams(
            dimension_semantics=("arbitrary",)),
    )(meta, xs2, w1r, b1r, w2q, b2q)


def _sc_combine(outg, pos0, pos1, wa, wb):
    bk, ov = outg.shape
    b = pos0.shape[0]
    nw = 32
    chunk = b // nw
    mesh = plsc.VectorSubcoreMesh(core_axis_name="c", subcore_axis_name="s")

    @functools.partial(
        pl.kernel, mesh=mesh,
        out_type=jax.ShapeDtypeStruct((b, 16), jnp.float32),
        scratch_types=[
            pltpu.VMEM((chunk, ov), jnp.float32),
            pltpu.VMEM((chunk, ov), jnp.float32),
            pltpu.VMEM((chunk, 16), jnp.float32),
            pltpu.VMEM((chunk,), jnp.int32),
            pltpu.VMEM((chunk,), jnp.int32),
            pltpu.VMEM((chunk, 16), jnp.float32),
            pltpu.VMEM((chunk, 16), jnp.float32),
            pltpu.SemaphoreType.DMA,
        ],
    )
    def comb(outg_hbm, p0_hbm, p1_hbm, wa_hbm, wb_hbm, out_hbm,
             r0_v, r1_v, o_v, i0_v, i1_v, wa_v, wb_v, sem):
        wid = jax.lax.axis_index("s") * 2 + jax.lax.axis_index("c")
        base = wid * chunk
        pltpu.sync_copy(p0_hbm.at[pl.ds(base, chunk)], i0_v)
        pltpu.sync_copy(p1_hbm.at[pl.ds(base, chunk)], i1_v)
        pltpu.sync_copy(wa_hbm.at[pl.ds(base, chunk)], wa_v)
        pltpu.sync_copy(wb_hbm.at[pl.ds(base, chunk)], wb_v)
        cp0 = pltpu.async_copy(outg_hbm.at[i0_v], r0_v, sem)
        cp1 = pltpu.async_copy(outg_hbm.at[i1_v], r1_v, sem)
        cp0.wait()
        cp1.wait()

        o_v[...] = (wa_v[...] * r0_v[:, pl.ds(0, 16)]
                    + wb_v[...] * r1_v[:, pl.ds(0, 16)])
        pltpu.sync_copy(o_v, out_hbm.at[pl.ds(base, chunk)])

    return comb(outg, pos0, pos1, wa, wb)


def kernel(x, Wg, bg, W1, b1, W2, b2):
    b, d = x.shape
    n_exp = Wg.shape[1]
    h = W1.shape[2]
    o = W2.shape[2]
    ov = LANES
    tmb = 128
    nrows = 2 * b + n_exp * tmb

    wgp = jnp.pad(Wg, ((0, 0), (0, LANES - n_exp)))
    bgp = jnp.pad(bg, (0, LANES - n_exp), constant_values=-1e30)[None, :]
    w2q = jnp.pad(W2, ((0, 0), (0, 0), (0, ov - o)))
    b1r = b1[:, None, :]
    b2q = jnp.pad(b2, ((0, 0), (0, ov - o)))[:, None, :]

    gpad, posi, wa, wb, meta = _route(x, wgp, bgp, n_exp, tmb)
    pos0 = posi[:, 0]
    pos1 = posi[:, 1]

    xs2 = _sc_scatter(x, pos0, pos1, nrows)
    outg = _gmm(meta, xs2, W1, b1r, w2q, b2q, tmb)
    outw = _sc_combine(outg, pos0, pos1, wa, wb)
    return outw[:, :o], gpad[:, :n_exp]

# --- scband reference (transcript-rebuilt; emitter-appended) ---
"""Pipeline reference for scband-mixture-of-experts-64183991271494 (READ-ONLY COPY).

The authoritative reference and input builder live on the scoring server;
editing this copy changes nothing except your own understanding.
"""

import jax, jax.numpy as jnp
import numpy as np

B = 4096
D = 1024
H = 2048
O = 10
E = 8
K = 2


def setup_inputs(seed: int = 0) -> dict:
    key = jax.random.key(seed)
    ks = jax.random.split(key, 4)
    def init_w(k, shape, fan_in):
        return (jax.random.normal(k, shape, dtype=jnp.float32) / np.sqrt(fan_in)).astype(jnp.float32)
    return {
        "x": jax.random.normal(ks[0], (B, D), dtype=jnp.float32),
        "Wg": init_w(ks[1], (D, E), D),
        "bg": jnp.zeros((E,), dtype=jnp.float32),
        "W1": init_w(ks[2], (E, D, H), D),
        "b1": jnp.zeros((E, H), dtype=jnp.float32),
        "W2": init_w(ks[3], (E, H, O), H),
        "b2": jnp.zeros((E, O), dtype=jnp.float32),
    }


def reference(x, Wg, bg, W1, b1, W2, b2):
    # Gating network: softmax over experts
    gates = jax.nn.softmax(x @ Wg + bg[None, :], axis=1)  # [B, E]
    # Run ALL experts densely (faithful to the torch loop)
    h = jax.nn.relu(jnp.einsum('bd,edh->beh', x, W1) + b1[None, :, :])  # [B, E, H]
    expert_outputs = jnp.einsum('beh,eho->beo', h, W2) + b2[None, :, :]  # [B, E, O]
    # Top-k masking of gates (K < E)
    _, idx = jax.lax.top_k(gates, K)  # [B, K]
    rows = jnp.arange(gates.shape[0])[:, None]
    mask = jnp.zeros_like(gates).at[rows, idx].set(1.0)
    g = gates * mask
    g = g / (g.sum(axis=1, keepdims=True) + 1e-12)
    weighted = (expert_outputs * g[:, :, None]).sum(axis=1)  # [B, O]
    return (weighted, g)

if __name__ == "__main__":
    import jax
    _d = setup_inputs()
    print(jax.jit(kernel)(*tuple(_d.values())))

</pallas_src>

<mosaic_0001>
#map = affine_map<(d0, d1) -> (0, 0)>
#map1 = affine_map<(d0, d1) -> (0)>
module attributes {stable_mosaic.version = 14 : i64} {
  func.func @comb(%arg0: i32, %arg1: i32, %arg2: memref<9216x128xf32, #tpu.memory_space<hbm>>, %arg3: memref<4096xi32, #tpu.memory_space<hbm>>, %arg4: memref<4096xi32, #tpu.memory_space<hbm>>, %arg5: memref<4096x16xf32, #tpu.memory_space<hbm>>, %arg6: memref<4096x16xf32, #tpu.memory_space<hbm>>, %arg7: memref<4096x16xf32, #tpu.memory_space<hbm>>, %arg8: memref<128x128xf32, #tpu.memory_space<vmem>>, %arg9: memref<128x128xf32, #tpu.memory_space<vmem>>, %arg10: memref<128x16xf32, #tpu.memory_space<vmem>>, %arg11: memref<128xi32, #tpu.memory_space<vmem>>, %arg12: memref<128xi32, #tpu.memory_space<vmem>>, %arg13: memref<128x16xf32, #tpu.memory_space<vmem>>, %arg14: memref<128x16xf32, #tpu.memory_space<vmem>>, %arg15: memref<!tpu.dma_semaphore, #tpu.memory_space<semaphore_mem>>) attributes {dimension_semantics = [#tpu.dimension_semantics<core_parallel>, #tpu.dimension_semantics<subcore_parallel>], iteration_bounds = array<i64: 2, 16>, scalar_prefetch = 0 : i64, scratch_operands = 8 : i64, tpu.core_type = #tpu.core_type<sc_vector_subcore>, window_params = [{transform_indices = #map}, {transform_indices = #map1}, {transform_indices = #map1}, {transform_indices = #map}, {transform_indices = #map}, {transform_indices = #map}]} {
    %mul3A = arith.constant 2 : i32
    %mul3A_0 = arith.muli %arg1, %mul3A : i32
    %add3A = arith.addi %mul3A_0, %arg0 : i32
    %mul3A_1 = arith.constant 128 : i32
    %mul3A_2 = arith.muli %add3A, %mul3A_1 : i32
    "tpu.region"() ({
      %run_scoped3A = tpu.sem_alloc : memref<!tpu.dma_semaphore, #tpu.memory_space<semaphore_mem>>
      %dma_start3A_35 = tpu.memref_slice %arg3[%mul3A_2] : memref<4096xi32, #tpu.memory_space<hbm>> -> memref<128xi32, #tpu.memory_space<hbm>>
      %dma_start3A_36 = tpu.memref_slice %arg3[%mul3A_2] : memref<4096xi32, #tpu.memory_space<hbm>> -> memref<128xi32, #tpu.memory_space<hbm>>
      tpu.enqueue_dma source(%dma_start3A_36 : memref<128xi32, #tpu.memory_space<hbm>>) target(%arg11 : memref<128xi32, #tpu.memory_space<vmem>>) target_semaphore(%run_scoped3A : memref<!tpu.dma_semaphore, #tpu.memory_space<semaphore_mem>>)
      %dma_wait3A_37 = tpu.memref_slice %arg3[%mul3A_2] : memref<4096xi32, #tpu.memory_space<hbm>> -> memref<128xi32, #tpu.memory_space<hbm>>
      %dma_wait3A_38 = tpu.memref_slice %arg3[%mul3A_2] : memref<4096xi32, #tpu.memory_space<hbm>> -> memref<128xi32, #tpu.memory_space<hbm>>
      tpu.wait_dma2 semaphore(%run_scoped3A : memref<!tpu.dma_semaphore, #tpu.memory_space<semaphore_mem>>) src(%dma_wait3A_38 : memref<128xi32, #tpu.memory_space<hbm>>) dst(%arg11 : memref<128xi32, #tpu.memory_space<vmem>>)
      tpu.yield
    }) : () -> ()
    "tpu.region"() ({
      %run_scoped3A = tpu.sem_alloc : memref<!tpu.dma_semaphore, #tpu.memory_space<semaphore_mem>>
      %dma_start3A_35 = tpu.memref_slice %arg4[%mul3A_2] : memref<4096xi32, #tpu.memory_space<hbm>> -> memref<128xi32, #tpu.memory_space<hbm>>
      %dma_start3A_36 = tpu.memref_slice %arg4[%mul3A_2] : memref<4096xi32, #tpu.memory_space<hbm>> -> memref<128xi32, #tpu.memory_space<hbm>>
      tpu.enqueue_dma source(%dma_start3A_36 : memref<128xi32, #tpu.memory_space<hbm>>) target(%arg12 : memref<128xi32, #tpu.memory_space<vmem>>) target_semaphore(%run_scoped3A : memref<!tpu.dma_semaphore, #tpu.memory_space<semaphore_mem>>)
      %dma_wait3A_37 = tpu.memref_slice %arg4[%mul3A_2] : memref<4096xi32, #tpu.memory_space<hbm>> -> memref<128xi32, #tpu.memory_space<hbm>>
      %dma_wait3A_38 = tpu.memref_slice %arg4[%mul3A_2] : memref<4096xi32, #tpu.memory_space<hbm>> -> memref<128xi32, #tpu.memory_space<hbm>>
      tpu.wait_dma2 semaphore(%run_scoped3A : memref<!tpu.dma_semaphore, #tpu.memory_space<semaphore_mem>>) src(%dma_wait3A_38 : memref<128xi32, #tpu.memory_space<hbm>>) dst(%arg12 : memref<128xi32, #tpu.memory_space<vmem>>)
      tpu.yield
    }) : () -> ()
    "tpu.region"() ({
      %run_scoped3A = tpu.sem_alloc : memref<!tpu.dma_semaphore, #tpu.memory_space<semaphore_mem>>
      %dma_start3A_35 = arith.constant 0 : i32
      %dma_start3A_36 = tpu.memref_slice %arg5[%mul3A_2, %dma_start3A_35] : memref<4096x16xf32, #tpu.memory_space<hbm>> -> memref<128x16xf32, #tpu.memory_space<hbm>>
      %dma_start3A_37 = arith.constant 0 : i32
      %dma_start3A_38 = tpu.memref_slice %arg5[%mul3A_2, %dma_start3A_37] : memref<4096x16xf32, #tpu.memory_space<hbm>> -> memref<128x16xf32, #tpu.memory_space<hbm>>
      tpu.enqueue_dma source(%dma_start3A_38 : memref<128x16xf32, #tpu.memory_space<hbm>>) target(%arg13 : memref<128x16xf32, #tpu.memory_space<vmem>>) target_semaphore(%run_scoped3A : memref<!tpu.dma_semaphore, #tpu.memory_space<semaphore_mem>>)
      %dma_wait3A_39 = arith.constant 0 : i32
      %dma_wait3A_40 = tpu.memref_slice %arg5[%mul3A_2, %dma_wait3A_39] : memref<4096x16xf32, #tpu.memory_space<hbm>> -> memref<128x16xf32, #tpu.memory_space<hbm>>
      %dma_wait3A_41 = arith.constant 0 : i32
      %dma_wait3A_42 = tpu.memref_slice %arg5[%mul3A_2, %dma_wait3A_41] : memref<4096x16xf32, #tpu.memory_space<hbm>> -> memref<128x16xf32, #tpu.memory_space<hbm>>
      tpu.wait_dma2 semaphore(%run_scoped3A : memref<!tpu.dma_semaphore, #tpu.memory_space<semaphore_mem>>) src(%dma_wait3A_42 : memref<128x16xf32, #tpu.memory_space<hbm>>) dst(%arg13 : memref<128x16xf32, #tpu.memory_space<vmem>>)
      tpu.yield
    }) : () -> ()
    "tpu.region"() ({
      %run_scoped3A = tpu.sem_alloc : memref<!tpu.dma_semaphore, #tpu.memory_space<semaphore_mem>>
      %dma_start3A_35 = arith.constant 0 : i32
      %dma_start3A_36 = tpu.memref_slice %arg6[%mul3A_2, %dma_start3A_35] : memref<4096x16xf32, #tpu.memory_space<hbm>> -> memref<128x16xf32, #tpu.memory_space<hbm>>
      %dma_start3A_37 = arith.constant 0 : i32
      %dma_start3A_38 = tpu.memref_slice %arg6[%mul3A_2, %dma_start3A_37] : memref<4096x16xf32, #tpu.memory_space<hbm>> -> memref<128x16xf32, #tpu.memory_space<hbm>>
      tpu.enqueue_dma source(%dma_start3A_38 : memref<128x16xf32, #tpu.memory_space<hbm>>) target(%arg14 : memref<128x16xf32, #tpu.memory_space<vmem>>) target_semaphore(%run_scoped3A : memref<!tpu.dma_semaphore, #tpu.memory_space<semaphore_mem>>)
      %dma_wait3A_39 = arith.constant 0 : i32
      %dma_wait3A_40 = tpu.memref_slice %arg6[%mul3A_2, %dma_wait3A_39] : memref<4096x16xf32, #tpu.memory_space<hbm>> -> memref<128x16xf32, #tpu.memory_space<hbm>>
      %dma_wait3A_41 = arith.constant 0 : i32
      %dma_wait3A_42 = tpu.memref_slice %arg6[%mul3A_2, %dma_wait3A_41] : memref<4096x16xf32, #tpu.memory_space<hbm>> -> memref<128x16xf32, #tpu.memory_space<hbm>>
      tpu.wait_dma2 semaphore(%run_scoped3A : memref<!tpu.dma_semaphore, #tpu.memory_space<semaphore_mem>>) src(%dma_wait3A_42 : memref<128x16xf32, #tpu.memory_space<hbm>>) dst(%arg14 : memref<128x16xf32, #tpu.memory_space<vmem>>)
      tpu.yield
    }) : () -> ()
    %dma_start3A = arith.constant 0 : i32
    %dma_start3A_3 = arith.constant 0 : i32
    %dma_start3A_4 = tpu.memref_slice %arg2[%dma_start3A, %dma_start3A_3] : memref<9216x128xf32, #tpu.memory_space<hbm>> -> memref<9216x128xf32, #tpu.memory_space<hbm>>
    tpu.enqueue_indirect_dma source(%dma_start3A_4 : memref<9216x128xf32, #tpu.memory_space<hbm>>) target(%arg8 : memref<128x128xf32, #tpu.memory_space<vmem>>) offsets(%arg11 : memref<128xi32, #tpu.memory_space<vmem>>) semaphore(%arg15 : memref<!tpu.dma_semaphore, #tpu.memory_space<semaphore_mem>>)
    %dma_start3A_5 = arith.constant 0 : i32
    %dma_start3A_6 = arith.constant 0 : i32
    %dma_start3A_7 = tpu.memref_slice %arg2[%dma_start3A_5, %dma_start3A_6] : memref<9216x128xf32, #tpu.memory_space<hbm>> -> memref<9216x128xf32, #tpu.memory_space<hbm>>
    tpu.enqueue_indirect_dma source(%dma_start3A_7 : memref<9216x128xf32, #tpu.memory_space<hbm>>) target(%arg9 : memref<128x128xf32, #tpu.memory_space<vmem>>) offsets(%arg12 : memref<128xi32, #tpu.memory_space<vmem>>) semaphore(%arg15 : memref<!tpu.dma_semaphore, #tpu.memory_space<semaphore_mem>>)
    %dma_wait3A = arith.constant 0 : i32
    %dma_wait3A_8 = arith.constant 0 : i32
    %dma_wait3A_9 = tpu.memref_slice %arg2[%dma_wait3A, %dma_wait3A_8] : memref<9216x128xf32, #tpu.memory_space<hbm>> -> memref<9216x128xf32, #tpu.memory_space<hbm>>
    tpu.wait_indirect_dma semaphore(%arg15 : memref<!tpu.dma_semaphore, #tpu.memory_space<semaphore_mem>>) src(%dma_wait3A_9 : memref<9216x128xf32, #tpu.memory_space<hbm>>) dst(%arg8 : memref<128x128xf32, #tpu.memory_space<vmem>>)
    %dma_wait3A_10 = arith.constant 0 : i32
    %dma_wait3A_11 = arith.constant 0 : i32
    %dma_wait3A_12 = tpu.memref_slice %arg2[%dma_wait3A_10, %dma_wait3A_11] : memref<9216x128xf32, #tpu.memory_space<hbm>> -> memref<9216x128xf32, #tpu.memory_space<hbm>>
    tpu.wait_indirect_dma semaphore(%arg15 : memref<!tpu.dma_semaphore, #tpu.memory_space<semaphore_mem>>) src(%dma_wait3A_12 : memref<9216x128xf32, #tpu.memory_space<hbm>>) dst(%arg9 : memref<128x128xf32, #tpu.memory_space<vmem>>)
    %get3A = arith.constant 0 : index
    %get3A_13 = arith.constant 0 : index
    %get3A_14 = tpu.vector_load %arg13[%get3A, %get3A_13] {strides = array<i32>} : memref<128x16xf32, #tpu.memory_space<vmem>>, vector<128x16xf32>,
    %get3A_15 = vector.shape_cast %get3A_14 : vector<128x16xf32> to vector<128x16xf32>
    %get3A_16 = arith.constant 0 : index
    %get3A_17 = arith.constant 0 : index
    %get3A_18 = tpu.vector_load %arg8[%get3A_16, %get3A_17] {strides = array<i32>} : memref<128x128xf32, #tpu.memory_space<vmem>>, vector<128x16xf32>,
    %get3A_19 = vector.shape_cast %get3A_18 : vector<128x16xf32> to vector<128x16xf32>
    %mul3A_20 = arith.mulf %get3A_15, %get3A_19 : vector<128x16xf32>
    %get3A_21 = arith.constant 0 : index
    %get3A_22 = arith.constant 0 : index
    %get3A_23 = tpu.vector_load %arg14[%get3A_21, %get3A_22] {strides = array<i32>} : memref<128x16xf32, #tpu.memory_space<vmem>>, vector<128x16xf32>,
    %get3A_24 = vector.shape_cast %get3A_23 : vector<128x16xf32> to vector<128x16xf32>
    %get3A_25 = arith.constant 0 : index
    %get3A_26 = arith.constant 0 : index
    %get3A_27 = tpu.vector_load %arg9[%get3A_25, %get3A_26] {strides = array<i32>} : memref<128x128xf32, #tpu.memory_space<vmem>>, vector<128x16xf32>,
    %get3A_28 = vector.shape_cast %get3A_27 : vector<128x16xf32> to vector<128x16xf32>
    %mul3A_29 = arith.mulf %get3A_24, %get3A_28 : vector<128x16xf32>
    %add3A_30 = arith.addf %mul3A_20, %mul3A_29 : vector<128x16xf32>
    %swap3A = arith.constant 0 : index
    %swap3A_31 = arith.constant 0 : index
    %swap3A_32 = tpu.vector_load %arg10[%swap3A, %swap3A_31] {strides = array<i32>} : memref<128x16xf32, #tpu.memory_space<vmem>>, vector<128x16xf32>,
    %swap3A_33 = vector.shape_cast %swap3A_32 : vector<128x16xf32> to vector<128x16xf32>
    %swap3A_34 = vector.shape_cast %add3A_30 : vector<128x16xf32> to vector<128x16xf32>
    tpu.vector_store %arg10[%swap3A, %swap3A_31], %swap3A_34 {strides = array<i32>} : memref<128x16xf32, #tpu.memory_space<vmem>>, vector<128x16xf32>,
    "tpu.region"() ({
      %run_scoped3A = tpu.sem_alloc : memref<!tpu.dma_semaphore, #tpu.memory_space<semaphore_mem>>
      %dma_start3A_35 = arith.constant 0 : i32
      %dma_start3A_36 = tpu.memref_slice %arg7[%mul3A_2, %dma_start3A_35] : memref<4096x16xf32, #tpu.memory_space<hbm>> -> memref<128x16xf32, #tpu.memory_space<hbm>>
      %dma_start3A_37 = arith.constant 0 : i32
      %dma_start3A_38 = tpu.memref_slice %arg7[%mul3A_2, %dma_start3A_37] : memref<4096x16xf32, #tpu.memory_space<hbm>> -> memref<128x16xf32, #tpu.memory_space<hbm>>
      tpu.enqueue_dma source(%arg10 : memref<128x16xf32, #tpu.memory_space<vmem>>) target(%dma_start3A_38 : memref<128x16xf32, #tpu.memory_space<hbm>>) target_semaphore(%run_scoped3A : memref<!tpu.dma_semaphore, #tpu.memory_space<semaphore_mem>>)
      %dma_wait3A_39 = arith.constant 0 : i32
      %dma_wait3A_40 = tpu.memref_slice %arg7[%mul3A_2, %dma_wait3A_39] : memref<4096x16xf32, #tpu.memory_space<hbm>> -> memref<128x16xf32, #tpu.memory_space<hbm>>
      %dma_wait3A_41 = arith.constant 0 : i32
      %dma_wait3A_42 = tpu.memref_slice %arg7[%mul3A_2, %dma_wait3A_41] : memref<4096x16xf32, #tpu.memory_space<hbm>> -> memref<128x16xf32, #tpu.memory_space<hbm>>
      tpu.wait_dma2 semaphore(%run_scoped3A : memref<!tpu.dma_semaphore, #tpu.memory_space<semaphore_mem>>) src(%arg10 : memref<128x16xf32, #tpu.memory_space<vmem>>) dst(%dma_wait3A_42 : memref<128x16xf32, #tpu.memory_space<hbm>>)
      tpu.yield
    }) : () -> ()
    return
  }
}

#map = affine_map<(d0, d1) -> (0, 0)>
#map1 = affine_map<(d0, d1) -> (0)>
module attributes {stable_mosaic.version = 14 : i64} {
  func.func @scat(%arg0: i32, %arg1: i32, %arg2: memref<4096x1024xf32, #tpu.memory_space<hbm>>, %arg3: memref<4096xi32, #tpu.memory_space<hbm>>, %arg4: memref<4096xi32, #tpu.memory_space<hbm>>, %arg5: memref<9216x1024xf32, #tpu.memory_space<hbm>>, %arg6: memref<32x1024xf32, #tpu.memory_space<vmem>>, %arg7: memref<32xi32, #tpu.memory_space<vmem>>, %arg8: memref<32xi32, #tpu.memory_space<vmem>>, %arg9: memref<!tpu.dma_semaphore, #tpu.memory_space<semaphore_mem>>) attributes {dimension_semantics = [#tpu.dimension_semantics<core_parallel>, #tpu.dimension_semantics<subcore_parallel>], iteration_bounds = array<i64: 2, 16>, scalar_prefetch = 0 : i64, scratch_operands = 4 : i64, tpu.core_type = #tpu.core_type<sc_vector_subcore>, window_params = [{transform_indices = #map}, {transform_indices = #map1}, {transform_indices = #map1}, {transform_indices = #map}]} {
    %mul3A = arith.constant 2 : i32
    %mul3A_0 = arith.muli %arg1, %mul3A : i32
    %add3A = arith.addi %mul3A_0, %arg0 : i32
    %mul3A_1 = arith.constant 128 : i32
    %mul3A_2 = arith.muli %add3A, %mul3A_1 : i32
    %scan3A = arith.constant 0 : i32
    %scan3A_3 = arith.constant 4 : i32
    %scan3A_4 = arith.addi %scan3A, %scan3A_3 : i32
    %scan3A_5 = arith.constant 1 : i32
    scf.for %scan3A_7 = %scan3A to %scan3A_4 step %scan3A_5  : i32 {
      %mul3A_8 = arith.constant 32 : i32
      %mul3A_9 = arith.muli %scan3A_7, %mul3A_8 : i32
      %add3A_10 = arith.addi %mul3A_2, %mul3A_9 : i32
      "tpu.region"() ({
        %run_scoped3A = tpu.sem_alloc : memref<!tpu.dma_semaphore, #tpu.memory_space<semaphore_mem>>
        %dma_start3A_21 = arith.constant 0 : i32
        %dma_start3A_22 = tpu.memref_slice %arg2[%add3A_10, %dma_start3A_21] : memref<4096x1024xf32, #tpu.memory_space<hbm>> -> memref<32x1024xf32, #tpu.memory_space<hbm>>
        %dma_start3A_23 = arith.constant 0 : i32
        %dma_start3A_24 = tpu.memref_slice %arg2[%add3A_10, %dma_start3A_23] : memref<4096x1024xf32, #tpu.memory_space<hbm>> -> memref<32x1024xf32, #tpu.memory_space<hbm>>
        tpu.enqueue_dma source(%dma_start3A_24 : memref<32x1024xf32, #tpu.memory_space<hbm>>) target(%arg6 : memref<32x1024xf32, #tpu.memory_space<vmem>>) target_semaphore(%run_scoped3A : memref<!tpu.dma_semaphore, #tpu.memory_space<semaphore_mem>>)
        %dma_wait3A_25 = arith.constant 0 : i32
        %dma_wait3A_26 = tpu.memref_slice %arg2[%add3A_10, %dma_wait3A_25] : memref<4096x1024xf32, #tpu.memory_space<hbm>> -> memref<32x1024xf32, #tpu.memory_space<hbm>>
        %dma_wait3A_27 = arith.constant 0 : i32
        %dma_wait3A_28 = tpu.memref_slice %arg2[%add3A_10, %dma_wait3A_27] : memref<4096x1024xf32, #tpu.memory_space<hbm>> -> memref<32x1024xf32, #tpu.memory_space<hbm>>
        tpu.wait_dma2 semaphore(%run_scoped3A : memref<!tpu.dma_semaphore, #tpu.memory_space<semaphore_mem>>) src(%dma_wait3A_28 : memref<32x1024xf32, #tpu.memory_space<hbm>>) dst(%arg6 : memref<32x1024xf32, #tpu.memory_space<vmem>>)
        tpu.yield
      }) : () -> ()
      "tpu.region"() ({
        %run_scoped3A = tpu.sem_alloc : memref<!tpu.dma_semaphore, #tpu.memory_space<semaphore_mem>>
        %dma_start3A_21 = tpu.memref_slice %arg3[%add3A_10] : memref<4096xi32, #tpu.memory_space<hbm>> -> memref<32xi32, #tpu.memory_space<hbm>>
        %dma_start3A_22 = tpu.memref_slice %arg3[%add3A_10] : memref<4096xi32, #tpu.memory_space<hbm>> -> memref<32xi32, #tpu.memory_space<hbm>>
        tpu.enqueue_dma source(%dma_start3A_22 : memref<32xi32, #tpu.memory_space<hbm>>) target(%arg7 : memref<32xi32, #tpu.memory_space<vmem>>) target_semaphore(%run_scoped3A : memref<!tpu.dma_semaphore, #tpu.memory_space<semaphore_mem>>)
        %dma_wait3A_23 = tpu.memref_slice %arg3[%add3A_10] : memref<4096xi32, #tpu.memory_space<hbm>> -> memref<32xi32, #tpu.memory_space<hbm>>
        %dma_wait3A_24 = tpu.memref_slice %arg3[%add3A_10] : memref<4096xi32, #tpu.memory_space<hbm>> -> memref<32xi32, #tpu.memory_space<hbm>>
        tpu.wait_dma2 semaphore(%run_scoped3A : memref<!tpu.dma_semaphore, #tpu.memory_space<semaphore_mem>>) src(%dma_wait3A_24 : memref<32xi32, #tpu.memory_space<hbm>>) dst(%arg7 : memref<32xi32, #tpu.memory_space<vmem>>)
        tpu.yield
      }) : () -> ()
      "tpu.region"() ({
        %run_scoped3A = tpu.sem_alloc : memref<!tpu.dma_semaphore, #tpu.memory_space<semaphore_mem>>
        %dma_start3A_21 = tpu.memref_slice %arg4[%add3A_10] : memref<4096xi32, #tpu.memory_space<hbm>> -> memref<32xi32, #tpu.memory_space<hbm>>
        %dma_start3A_22 = tpu.memref_slice %arg4[%add3A_10] : memref<4096xi32, #tpu.memory_space<hbm>> -> memref<32xi32, #tpu.memory_space<hbm>>
        tpu.enqueue_dma source(%dma_start3A_22 : memref<32xi32, #tpu.memory_space<hbm>>) target(%arg8 : memref<32xi32, #tpu.memory_space<vmem>>) target_semaphore(%run_scoped3A : memref<!tpu.dma_semaphore, #tpu.memory_space<semaphore_mem>>)
        %dma_wait3A_23 = tpu.memref_slice %arg4[%add3A_10] : memref<4096xi32, #tpu.memory_space<hbm>> -> memref<32xi32, #tpu.memory_space<hbm>>
        %dma_wait3A_24 = tpu.memref_slice %arg4[%add3A_10] : memref<4096xi32, #tpu.memory_space<hbm>> -> memref<32xi32, #tpu.memory_space<hbm>>
        tpu.wait_dma2 semaphore(%run_scoped3A : memref<!tpu.dma_semaphore, #tpu.memory_space<semaphore_mem>>) src(%dma_wait3A_24 : memref<32xi32, #tpu.memory_space<hbm>>) dst(%arg8 : memref<32xi32, #tpu.memory_space<vmem>>)
        tpu.yield
      }) : () -> ()
      %dma_start3A = arith.constant 0 : i32
      %dma_start3A_11 = arith.constant 0 : i32
      %dma_start3A_12 = tpu.memref_slice %arg5[%dma_start3A, %dma_start3A_11] : memref<9216x1024xf32, #tpu.memory_space<hbm>> -> memref<9216x1024xf32, #tpu.memory_space<hbm>>
      tpu.enqueue_indirect_dma source(%arg6 : memref<32x1024xf32, #tpu.memory_space<vmem>>) target(%dma_start3A_12 : memref<9216x1024xf32, #tpu.memory_space<hbm>>) offsets(%arg7 : memref<32xi32, #tpu.memory_space<vmem>>) semaphore(%arg9 : memref<!tpu.dma_semaphore, #tpu.memory_space<semaphore_mem>>)
      %dma_start3A_13 = arith.constant 0 : i32
      %dma_start3A_14 = arith.constant 0 : i32
      %dma_start3A_15 = tpu.memref_slice %arg5[%dma_start3A_13, %dma_start3A_14] : memref<9216x1024xf32, #tpu.memory_space<hbm>> -> memref<9216x1024xf32, #tpu.memory_space<hbm>>
      tpu.enqueue_indirect_dma source(%arg6 : memref<32x1024xf32, #tpu.memory_space<vmem>>) target(%dma_start3A_15 : memref<9216x1024xf32, #tpu.memory_space<hbm>>) offsets(%arg8 : memref<32xi32, #tpu.memory_space<vmem>>) semaphore(%arg9 : memref<!tpu.dma_semaphore, #tpu.memory_space<semaphore_mem>>)
      %dma_wait3A = arith.constant 0 : i32
      %dma_wait3A_16 = arith.constant 0 : i32
      %dma_wait3A_17 = tpu.memref_slice %arg5[%dma_wait3A, %dma_wait3A_16] : memref<9216x1024xf32, #tpu.memory_space<hbm>> -> memref<9216x1024xf32, #tpu.memory_space<hbm>>
      tpu.wait_indirect_dma semaphore(%arg9 : memref<!tpu.dma_semaphore, #tpu.memory_space<semaphore_mem>>) src(%arg6 : memref<32x1024xf32, #tpu.memory_space<vmem>>) dst(%dma_wait3A_17 : memref<9216x1024xf32, #tpu.memory_space<hbm>>)
      %dma_wait3A_18 = arith.constant 0 : i32
      %dma_wait3A_19 = arith.constant 0 : i32
      %dma_wait3A_20 = tpu.memref_slice %arg5[%dma_wait3A_18, %dma_wait3A_19] : memref<9216x1024xf32, #tpu.memory_space<hbm>> -> memref<9216x1024xf32, #tpu.memory_space<hbm>>
      tpu.wait_indirect_dma semaphore(%arg9 : memref<!tpu.dma_semaphore, #tpu.memory_space<semaphore_mem>>) src(%arg6 : memref<32x1024xf32, #tpu.memory_space<vmem>>) dst(%dma_wait3A_20 : memref<9216x1024xf32, #tpu.memory_space<hbm>>)
    }
    %scan3A_6 = arith.constant 4 : i32
    return
  }
}

module attributes {stable_mosaic.version = 14 : i64} {
  func.func @_route_body(%arg0: i32, %arg1: i32, %arg2: memref<1024x1024xf32, #tpu.memory_space<vmem>>, %arg3: memref<1024x128xf32, #tpu.memory_space<vmem>>, %arg4: memref<1x128xf32, #tpu.memory_space<vmem>>, %arg5: memref<1024x128xf32, #tpu.memory_space<vmem>>, %arg6: memref<1024x128xi32, #tpu.memory_space<vmem>>, %arg7: memref<1024x16xf32, #tpu.memory_space<vmem>>, %arg8: memref<1024x16xf32, #tpu.memory_space<vmem>>, %arg9: memref<8x128xi32, #tpu.memory_space<vmem>>, %arg10: memref<1x128xf32, #tpu.memory_space<vmem>>, %arg11: memref<1x128xf32, #tpu.memory_space<vmem>>, %arg12: memref<1x128xf32, #tpu.memory_space<vmem>>, %arg13: memref<4096x128xf32, #tpu.memory_space<vmem>>) attributes {dimension_semantics = [#tpu.dimension_semantics<arbitrary>, #tpu.dimension_semantics<arbitrary>], iteration_bounds = array<i64: 2, 4>, scalar_prefetch = 0 : i64, scratch_operands = 4 : i64, tpu.core_type = #tpu.core_type<tc>, window_params = [{transform_indices = @transform_0, window_bounds = array<i64: 1024, 1024>}, {pipeline_mode = #tpu.pipeline_mode<synchronous>, transform_indices = @transform_1, window_bounds = array<i64: 1024, 128>}, {pipeline_mode = #tpu.pipeline_mode<synchronous>, transform_indices = @transform_2, window_bounds = array<i64: 1, 128>}, {transform_indices = @transform_3, window_bounds = array<i64: 1024, 128>}, {transform_indices = @transform_4, window_bounds = array<i64: 1024, 128>}, {transform_indices = @transform_5, window_bounds = array<i64: 1024, 16>}, {transform_indices = @transform_6, window_bounds = array<i64: 1024, 16>}, {pipeline_mode = #tpu.pipeline_mode<synchronous>, transform_indices = @transform_7, window_bounds = array<i64: 8, 128>}]} {
    %iota3A = tpu.iota {dimensions = array<i32: 1>} : vector<1024x128xi32>
    %eq3A = arith.constant 0 : i32
    %eq3A_0 = arith.cmpi eq, %arg0, %eq3A : i32
    %convert_element_type3A = arith.extui %eq3A_0 : i1 to i32
    %cond3A = arith.constant 0 : i32
    %cond3A_1 = arith.cmpi ne, %convert_element_type3A, %cond3A : i32
    scf.if %cond3A_1 {
      %get3A = arith.constant 0 : index
      %get3A_14 = arith.constant 0 : index
      %get3A_15 = vector.load %arg2[%get3A, %get3A_14] : memref<1024x1024xf32, #tpu.memory_space<vmem>>, vector<1024x1024xf32>
      %get3A_16 = arith.constant 0 : index
      %get3A_17 = arith.constant 0 : index
      %get3A_18 = vector.load %arg3[%get3A_16, %get3A_17] : memref<1024x128xf32, #tpu.memory_space<vmem>>, vector<1024x128xf32>
      %dot_general3A = arith.constant dense<0.000000e+00> : vector<1024x128xf32>
      %dot_general3A_19 = tpu.matmul %get3A_15, %get3A_18, %dot_general3A {dimension_numbers = #tpu.dot_dimension_numbers<[1], [0], [0], [1], [0, 0, 1, 1], [], []>, transpose_lhs_hint = false} : vector<1024x1024xf32>, vector<1024x128xf32>, vector<1024x128xf32> -> vector<1024x128xf32>
      %get3A_20 = arith.constant 0 : index
      %get3A_21 = arith.constant 0 : index
      %get3A_22 = vector.load %arg4[%get3A_20, %get3A_21] : memref<1x128xf32, #tpu.memory_space<vmem>>, vector<1x128xf32>
      %add3A = vector.broadcast %get3A_22 : vector<1x128xf32> to vector<1024x128xf32>
      %add3A_23 = arith.addf %dot_general3A_19, %add3A : vector<1024x128xf32>
      %reduce_max3A = arith.constant dense<0xFF800000> : vector<1024xf32>
      %reduce_max3A_24 = vector.multi_reduction <maximumf>, %add3A_23, %reduce_max3A [1] : vector<1024x128xf32> to vector<1024xf32>
      %broadcast_in_dim3A = vector.shape_cast %reduce_max3A_24 : vector<1024xf32> to vector<1024x1xf32>
      %sub3A = vector.broadcast %broadcast_in_dim3A : vector<1024x1xf32> to vector<1024x128xf32>
      %sub3A_25 = arith.subf %add3A_23, %sub3A : vector<1024x128xf32>
      %exp3A = math.exp %sub3A_25 : vector<1024x128xf32>
      %reduce_sum3A = arith.constant dense<0.000000e+00> : vector<1024xf32>
      %reduce_sum3A_26 = vector.multi_reduction <add>, %exp3A, %reduce_sum3A [1] : vector<1024x128xf32> to vector<1024xf32>
      %broadcast_in_dim3A_27 = vector.shape_cast %reduce_sum3A_26 : vector<1024xf32> to vector<1024x1xf32>
      %div3A = vector.broadcast %broadcast_in_dim3A_27 : vector<1024x1xf32> to vector<1024x128xf32>
      %div3A_28 = arith.divf %exp3A, %div3A : vector<1024x128xf32>
      %mul3A = arith.constant 1024 : i32
      %mul3A_29 = arith.muli %arg1, %mul3A : i32
      %swap3A = arith.index_cast %mul3A_29 : i32 to index
      %swap3A_30 = arith.constant 0 : index
      %swap3A_31 = vector.load %arg13[%swap3A, %swap3A_30] : memref<4096x128xf32, #tpu.memory_space<vmem>>, vector<1024x128xf32>
      tpu.vector_store %arg13[%swap3A, %swap3A_30], %div3A_28 {strides = array<i32>} : memref<4096x128xf32, #tpu.memory_space<vmem>>, vector<1024x128xf32>,
      %reduce_max3A_32 = arith.constant dense<0xFF800000> : vector<1024xf32>
      %reduce_max3A_33 = vector.multi_reduction <maximumf>, %div3A_28, %reduce_max3A_32 [1] : vector<1024x128xf32> to vector<1024xf32>
      %broadcast_in_dim3A_34 = vector.shape_cast %reduce_max3A_33 : vector<1024xf32> to vector<1024x1xf32>
      %eq3A_35 = vector.broadcast %broadcast_in_dim3A_34 : vector<1024x1xf32> to vector<1024x128xf32>
      %eq3A_36 = arith.cmpf oeq, %div3A_28, %eq3A_35 : vector<1024x128xf32>
      %jit3A = arith.constant 128 : i32
      %broadcast_in_dim3A_37 = vector.broadcast %jit3A : i32 to vector<1024x128xi32>
      %select_n3A = arith.select %eq3A_36, %iota3A, %broadcast_in_dim3A_37 : vector<1024x128xi1>, vector<1024x128xi32>
      %reduce_min3A = arith.constant dense<2147483647> : vector<1024xi32>
      %reduce_min3A_38 = vector.multi_reduction <minsi>, %select_n3A, %reduce_min3A [1] : vector<1024x128xi32> to vector<1024xi32>
      %broadcast_in_dim3A_39 = vector.shape_cast %reduce_min3A_38 : vector<1024xi32> to vector<1024x1xi32>
      %eq3A_40 = vector.broadcast %broadcast_in_dim3A_39 : vector<1024x1xi32> to vector<1024x128xi32>
      %eq3A_41 = arith.cmpi eq, %iota3A, %eq3A_40 : vector<1024x128xi32>
      %jit3A_42 = arith.constant -1.000000e+00 : f32
      %broadcast_in_dim3A_43 = vector.broadcast %jit3A_42 : f32 to vector<1024x128xf32>
      %select_n3A_44 = arith.select %eq3A_41, %broadcast_in_dim3A_43, %div3A_28 : vector<1024x128xi1>, vector<1024x128xf32>
      %reduce_max3A_45 = arith.constant dense<0xFF800000> : vector<1024xf32>
      %reduce_max3A_46 = vector.multi_reduction <maximumf>, %select_n3A_44, %reduce_max3A_45 [1] : vector<1024x128xf32> to vector<1024xf32>
      %broadcast_in_dim3A_47 = vector.shape_cast %reduce_max3A_46 : vector<1024xf32> to vector<1024x1xf32>
      %eq3A_48 = vector.broadcast %broadcast_in_dim3A_47 : vector<1024x1xf32> to vector<1024x128xf32>
      %eq3A_49 = arith.cmpf oeq, %select_n3A_44, %eq3A_48 : vector<1024x128xf32>
      %jit3A_50 = arith.constant 128 : i32
      %broadcast_in_dim3A_51 = vector.broadcast %jit3A_50 : i32 to vector<1024x128xi32>
      %select_n3A_52 = arith.select %eq3A_49, %iota3A, %broadcast_in_dim3A_51 : vector<1024x128xi1>, vector<1024x128xi32>
      %reduce_min3A_53 = arith.constant dense<2147483647> : vector<1024xi32>
      %reduce_min3A_54 = vector.multi_reduction <minsi>, %select_n3A_52, %reduce_min3A_53 [1] : vector<1024x128xi32> to vector<1024xi32>
      %broadcast_in_dim3A_55 = vector.shape_cast %reduce_min3A_54 : vector<1024xi32> to vector<1024x1xi32>
      %eq3A_56 = vector.broadcast %broadcast_in_dim3A_55 : vector<1024x1xi32> to vector<1024x128xi32>
      %eq3A_57 = arith.cmpi eq, %iota3A, %eq3A_56 : vector<1024x128xi32>
      %convert_element_type3A_58 = arith.extui %eq3A_41 : vector<1024x128xi1> to vector<1024x128xi32>
      %convert_element_type3A_59 = arith.sitofp %convert_element_type3A_58 : vector<1024x128xi32> to vector<1024x128xf32>
      %convert_element_type3A_60 = arith.extui %eq3A_57 : vector<1024x128xi1> to vector<1024x128xi32>
      %convert_element_type3A_61 = arith.sitofp %convert_element_type3A_60 : vector<1024x128xi32> to vector<1024x128xf32>
      %add3A_62 = arith.addf %convert_element_type3A_59, %convert_element_type3A_61 : vector<1024x128xf32>
      %reduce_sum3A_63 = arith.constant dense<0.000000e+00> : vector<128xf32>
      %reduce_sum3A_64 = vector.multi_reduction <add>, %add3A_62, %reduce_sum3A_63 [0] : vector<1024x128xf32> to vector<128xf32>
      %broadcast_in_dim3A_65 = vector.shape_cast %reduce_sum3A_64 : vector<128xf32> to vector<1x128xf32>
      %eq3A_66 = arith.constant 0 : i32
      %eq3A_67 = arith.cmpi eq, %arg1, %eq3A_66 : i32
      %convert_element_type3A_68 = arith.extui %eq3A_67 : i1 to i32
      %cond3A_69 = arith.constant 0 : i32
      %cond3A_70 = arith.cmpi ne, %convert_element_type3A_68, %cond3A_69 : i32
      scf.if %cond3A_70 {
        %swap3A_75 = arith.constant 0 : index
        %swap3A_76 = arith.constant 0 : index
        %swap3A_77 = vector.load %arg10[%swap3A_75, %swap3A_76] : memref<1x128xf32, #tpu.memory_space<vmem>>, vector<1x128xf32>
        tpu.vector_store %arg10[%swap3A_75, %swap3A_76], %broadcast_in_dim3A_65 {strides = array<i32>} : memref<1x128xf32, #tpu.memory_space<vmem>>, vector<1x128xf32>,
        %broadcast_in_dim3A_78 = arith.constant 0 : i32
        %broadcast_in_dim3A_79 = vector.broadcast %broadcast_in_dim3A_78 : i32 to vector<8x128xi32>
        %swap3A_80 = arith.constant 0 : index
        %swap3A_81 = arith.constant 0 : index
        %swap3A_82 = vector.load %arg9[%swap3A_80, %swap3A_81] : memref<8x128xi32, #tpu.memory_space<vmem>>, vector<8x128xi32>
        tpu.vector_store %arg9[%swap3A_80, %swap3A_81], %broadcast_in_dim3A_79 {strides = array<i32>} : memref<8x128xi32, #tpu.memory_space<vmem>>, vector<8x128xi32>,
      } else {
      }
      %gt3A = arith.constant 0 : i32
      %gt3A_71 = arith.cmpi sgt, %arg1, %gt3A : i32
      %convert_element_type3A_72 = arith.extui %gt3A_71 : i1 to i32
      %cond3A_73 = arith.constant 0 : i32
      %cond3A_74 = arith.cmpi ne, %convert_element_type3A_72, %cond3A_73 : i32
      scf.if %cond3A_74 {
        %get3A_75 = arith.constant 0 : index
        %get3A_76 = arith.constant 0 : index
        %get3A_77 = vector.load %arg10[%get3A_75, %get3A_76] : memref<1x128xf32, #tpu.memory_space<vmem>>, vector<1x128xf32>
        %add3A_78 = arith.addf %get3A_77, %broadcast_in_dim3A_65 : vector<1x128xf32>
        %swap3A_79 = arith.constant 0 : index
        %swap3A_80 = arith.constant 0 : index
        %swap3A_81 = vector.load %arg10[%swap3A_79, %swap3A_80] : memref<1x128xf32, #tpu.memory_space<vmem>>, vector<1x128xf32>
        tpu.vector_store %arg10[%swap3A_79, %swap3A_80], %add3A_78 {strides = array<i32>} : memref<1x128xf32, #tpu.memory_space<vmem>>, vector<1x128xf32>,
      } else {
      }
    } else {
    }
    %eq3A_2 = arith.constant 1 : i32
    %eq3A_3 = arith.cmpi eq, %arg0, %eq3A_2 : i32
    %convert_element_type3A_4 = arith.extui %eq3A_3 : i1 to i32
    %cond3A_5 = arith.constant 0 : i32
    %cond3A_6 = arith.cmpi ne, %convert_element_type3A_4, %cond3A_5 : i32
    scf.if %cond3A_6 {
      %mul3A = arith.constant 1024 : i32
      %mul3A_14 = arith.muli %arg1, %mul3A : i32
      %get3A = arith.index_cast %mul3A_14 : i32 to index
      %get3A_15 = arith.constant 0 : index
      %get3A_16 = vector.load %arg13[%get3A, %get3A_15] : memref<4096x128xf32, #tpu.memory_space<vmem>>, vector<1024x128xf32>
      %reduce_max3A = arith.constant dense<0xFF800000> : vector<1024xf32>
      %reduce_max3A_17 = vector.multi_reduction <maximumf>, %get3A_16, %reduce_max3A [1] : vector<1024x128xf32> to vector<1024xf32>
      %broadcast_in_dim3A = vector.shape_cast %reduce_max3A_17 : vector<1024xf32> to vector<1024x1xf32>
      %eq3A_18 = vector.broadcast %broadcast_in_dim3A : vector<1024x1xf32> to vector<1024x128xf32>
      %eq3A_19 = arith.cmpf oeq, %get3A_16, %eq3A_18 : vector<1024x128xf32>
      %jit3A = arith.constant 128 : i32
      %broadcast_in_dim3A_20 = vector.broadcast %jit3A : i32 to vector<1024x128xi32>
      %select_n3A = arith.select %eq3A_19, %iota3A, %broadcast_in_dim3A_20 : vector<1024x128xi1>, vector<1024x128xi32>
      %reduce_min3A = arith.constant dense<2147483647> : vector<1024xi32>
      %reduce_min3A_21 = vector.multi_reduction <minsi>, %select_n3A, %reduce_min3A [1] : vector<1024x128xi32> to vector<1024xi32>
      %broadcast_in_dim3A_22 = vector.shape_cast %reduce_min3A_21 : vector<1024xi32> to vector<1024x1xi32>
      %eq3A_23 = vector.broadcast %broadcast_in_dim3A_22 : vector<1024x1xi32> to vector<1024x128xi32>
      %eq3A_24 = arith.cmpi eq, %iota3A, %eq3A_23 : vector<1024x128xi32>
      %jit3A_25 = arith.constant -1.000000e+00 : f32
      %broadcast_in_dim3A_26 = vector.broadcast %jit3A_25 : f32 to vector<1024x128xf32>
      %select_n3A_27 = arith.select %eq3A_24, %broadcast_in_dim3A_26, %get3A_16 : vector<1024x128xi1>, vector<1024x128xf32>
      %reduce_max3A_28 = arith.constant dense<0xFF800000> : vector<1024xf32>
      %reduce_max3A_29 = vector.multi_reduction <maximumf>, %select_n3A_27, %reduce_max3A_28 [1] : vector<1024x128xf32> to vector<1024xf32>
      %broadcast_in_dim3A_30 = vector.shape_cast %reduce_max3A_29 : vector<1024xf32> to vector<1024x1xf32>
      %eq3A_31 = vector.broadcast %broadcast_in_dim3A_30 : vector<1024x1xf32> to vector<1024x128xf32>
      %eq3A_32 = arith.cmpf oeq, %select_n3A_27, %eq3A_31 : vector<1024x128xf32>
      %jit3A_33 = arith.constant 128 : i32
      %broadcast_in_dim3A_34 = vector.broadcast %jit3A_33 : i32 to vector<1024x128xi32>
      %select_n3A_35 = arith.select %eq3A_32, %iota3A, %broadcast_in_dim3A_34 : vector<1024x128xi1>, vector<1024x128xi32>
      %reduce_min3A_36 = arith.constant dense<2147483647> : vector<1024xi32>
      %reduce_min3A_37 = vector.multi_reduction <minsi>, %select_n3A_35, %reduce_min3A_36 [1] : vector<1024x128xi32> to vector<1024xi32>
      %broadcast_in_dim3A_38 = vector.shape_cast %reduce_min3A_37 : vector<1024xi32> to vector<1024x1xi32>
      %eq3A_39 = vector.broadcast %broadcast_in_dim3A_38 : vector<1024x1xi32> to vector<1024x128xi32>
      %eq3A_40 = arith.cmpi eq, %iota3A, %eq3A_39 : vector<1024x128xi32>
      %convert_element_type3A_41 = arith.extui %eq3A_24 : vector<1024x128xi1> to vector<1024x128xi32>
      %convert_element_type3A_42 = arith.sitofp %convert_element_type3A_41 : vector<1024x128xi32> to vector<1024x128xf32>
      %convert_element_type3A_43 = arith.extui %eq3A_40 : vector<1024x128xi1> to vector<1024x128xi32>
      %convert_element_type3A_44 = arith.sitofp %convert_element_type3A_43 : vector<1024x128xi32> to vector<1024x128xf32>
      %add3A = arith.addf %convert_element_type3A_42, %convert_element_type3A_44 : vector<1024x128xf32>
      %reduce_sum3A = arith.constant dense<0.000000e+00> : vector<128xf32>
      %reduce_sum3A_45 = vector.multi_reduction <add>, %add3A, %reduce_sum3A [0] : vector<1024x128xf32> to vector<128xf32>
      %broadcast_in_dim3A_46 = vector.shape_cast %reduce_sum3A_45 : vector<128xf32> to vector<1x128xf32>
      %eq3A_47 = arith.constant 0 : i32
      %eq3A_48 = arith.cmpi eq, %arg1, %eq3A_47 : i32
      %convert_element_type3A_49 = arith.extui %eq3A_48 : i1 to i32
      %cond3A_50 = arith.constant 0 : i32
      %cond3A_51 = arith.cmpi ne, %convert_element_type3A_49, %cond3A_50 : i32
      scf.if %cond3A_51 {
        %iota3A_126 = tpu.iota {dimensions = array<i32: 0>} : vector<128x128xi32>
        %iota3A_127 = tpu.iota {dimensions = array<i32: 1>} : vector<128x128xi32>
        %lt3A_128 = arith.cmpi slt, %iota3A_126, %iota3A_127 : vector<128x128xi32>
        %convert_element_type3A_129 = arith.extui %lt3A_128 : vector<128x128xi1> to vector<128x128xi32>
        %convert_element_type3A_130 = arith.sitofp %convert_element_type3A_129 : vector<128x128xi32> to vector<128x128xf32>
        %get3A_131 = arith.constant 0 : index
        %get3A_132 = arith.constant 0 : index
        %get3A_133 = vector.load %arg10[%get3A_131, %get3A_132] : memref<1x128xf32, #tpu.memory_space<vmem>>, vector<1x128xf32>
        %div3A_134 = arith.constant 1.280000e+02 : f32
        %div3A_135 = vector.broadcast %div3A_134 : f32 to vector<1x128xf32>
        %div3A_136 = arith.divf %get3A_133, %div3A_135 : vector<1x128xf32>
        %ceil3A = math.ceil %div3A_136 : vector<1x128xf32>
        %mul3A_137 = arith.constant 1.280000e+02 : f32
        %mul3A_138 = vector.broadcast %mul3A_137 : f32 to vector<1x128xf32>
        %mul3A_139 = arith.mulf %ceil3A, %mul3A_138 : vector<1x128xf32>
        %dot_general3A_140 = arith.constant dense<0.000000e+00> : vector<1x128xf32>
        %dot_general3A_141 = tpu.matmul %mul3A_139, %convert_element_type3A_130, %dot_general3A_140 {dimension_numbers = #tpu.dot_dimension_numbers<[1], [0], [0], [1], [0, 0, 1, 1], [], []>, precision = #tpu.contract_precision<fp32>, transpose_lhs_hint = false} : vector<1x128xf32>, vector<128x128xf32>, vector<1x128xf32> -> vector<1x128xf32>
        %swap3A_142 = arith.constant 0 : index
        %swap3A_143 = arith.constant 0 : index
        %swap3A_144 = vector.load %arg12[%swap3A_142, %swap3A_143] : memref<1x128xf32, #tpu.memory_space<vmem>>, vector<1x128xf32>
        tpu.vector_store %arg12[%swap3A_142, %swap3A_143], %dot_general3A_141 {strides = array<i32>} : memref<1x128xf32, #tpu.memory_space<vmem>>, vector<1x128xf32>,
        %get3A_145 = arith.constant 0 : index
        %get3A_146 = arith.constant 0 : index
        %get3A_147 = vector.load %arg12[%get3A_145, %get3A_146] : memref<1x128xf32, #tpu.memory_space<vmem>>, vector<1x128xf32>
        %swap3A_148 = arith.constant 0 : index
        %swap3A_149 = arith.constant 0 : index
        %swap3A_150 = vector.load %arg11[%swap3A_148, %swap3A_149] : memref<1x128xf32, #tpu.memory_space<vmem>>, vector<1x128xf32>
        tpu.vector_store %arg11[%swap3A_148, %swap3A_149], %get3A_147 {strides = array<i32>} : memref<1x128xf32, #tpu.memory_space<vmem>>, vector<1x128xf32>,
      } else {
      }
      %add3A_52 = arith.addf %broadcast_in_dim3A, %broadcast_in_dim3A_30 : vector<1024x1xf32>
      %add3A_53 = arith.constant 9.99999996E-13 : f32
      %add3A_54 = vector.broadcast %add3A_53 : f32 to vector<1024x1xf32>
      %add3A_55 = arith.addf %add3A_52, %add3A_54 : vector<1024x1xf32>
      %div3A = arith.divf %broadcast_in_dim3A, %add3A_55 : vector<1024x1xf32>
      %jit3A_56 = arith.constant 0.000000e+00 : f32
      %broadcast_in_dim3A_57 = vector.shape_cast %div3A : vector<1024x1xf32> to vector<1024x1xf32>
      %broadcast_in_dim3A_58 = vector.broadcast %broadcast_in_dim3A_57 : vector<1024x1xf32> to vector<1024x128xf32>
      %broadcast_in_dim3A_59 = vector.broadcast %jit3A_56 : f32 to vector<1024x128xf32>
      %select_n3A_60 = arith.select %eq3A_24, %broadcast_in_dim3A_58, %broadcast_in_dim3A_59 : vector<1024x128xi1>, vector<1024x128xf32>
      %div3A_61 = arith.divf %broadcast_in_dim3A_30, %add3A_55 : vector<1024x1xf32>
      %jit3A_62 = arith.constant 0.000000e+00 : f32
      %broadcast_in_dim3A_63 = vector.shape_cast %div3A_61 : vector<1024x1xf32> to vector<1024x1xf32>
      %broadcast_in_dim3A_64 = vector.broadcast %broadcast_in_dim3A_63 : vector<1024x1xf32> to vector<1024x128xf32>
      %broadcast_in_dim3A_65 = vector.broadcast %jit3A_62 : f32 to vector<1024x128xf32>
      %select_n3A_66 = arith.select %eq3A_40, %broadcast_in_dim3A_64, %broadcast_in_dim3A_65 : vector<1024x128xi1>, vector<1024x128xf32>
      %add3A_67 = arith.addf %select_n3A_60, %select_n3A_66 : vector<1024x128xf32>
      %iota3A_68 = tpu.iota {dimensions = array<i32: 0>} : vector<1024x1024xi32>
      %iota3A_69 = tpu.iota {dimensions = array<i32: 1>} : vector<1024x1024xi32>
      %lt3A = arith.cmpi slt, %iota3A_69, %iota3A_68 : vector<1024x1024xi32>
      %convert_element_type3A_70 = arith.extui %lt3A : vector<1024x1024xi1> to vector<1024x1024xi32>
      %convert_element_type3A_71 = arith.sitofp %convert_element_type3A_70 : vector<1024x1024xi32> to vector<1024x1024xf32>
      %dot_general3A = arith.constant dense<0.000000e+00> : vector<1024x128xf32>
      %dot_general3A_72 = tpu.matmul %convert_element_type3A_71, %add3A, %dot_general3A {dimension_numbers = #tpu.dot_dimension_numbers<[1], [0], [0], [1], [0, 0, 1, 1], [], []>, precision = #tpu.contract_precision<fp32>, transpose_lhs_hint = false} : vector<1024x1024xf32>, vector<1024x128xf32>, vector<1024x128xf32> -> vector<1024x128xf32>
      %get3A_73 = arith.constant 0 : index
      %get3A_74 = arith.constant 0 : index
      %get3A_75 = vector.load %arg11[%get3A_73, %get3A_74] : memref<1x128xf32, #tpu.memory_space<vmem>>, vector<1x128xf32>
      %add3A_76 = vector.broadcast %get3A_75 : vector<1x128xf32> to vector<1024x128xf32>
      %add3A_77 = arith.addf %add3A_76, %dot_general3A_72 : vector<1024x128xf32>
      %mul3A_78 = arith.mulf %add3A_77, %convert_element_type3A_42 : vector<1024x128xf32>
      %reduce_sum3A_79 = arith.constant dense<0.000000e+00> : vector<1024xf32>
      %reduce_sum3A_80 = vector.multi_reduction <add>, %mul3A_78, %reduce_sum3A_79 [1] : vector<1024x128xf32> to vector<1024xf32>
      %broadcast_in_dim3A_81 = vector.shape_cast %reduce_sum3A_80 : vector<1024xf32> to vector<1024x1xf32>
      %convert_element_type3A_82 = arith.fptosi %broadcast_in_dim3A_81 : vector<1024x1xf32> to vector<1024x1xi32>
      %mul3A_83 = arith.mulf %add3A_77, %convert_element_type3A_44 : vector<1024x128xf32>
      %reduce_sum3A_84 = arith.constant dense<0.000000e+00> : vector<1024xf32>
      %reduce_sum3A_85 = vector.multi_reduction <add>, %mul3A_83, %reduce_sum3A_84 [1] : vector<1024x128xf32> to vector<1024xf32>
      %broadcast_in_dim3A_86 = vector.shape_cast %reduce_sum3A_85 : vector<1024xf32> to vector<1024x1xf32>
      %convert_element_type3A_87 = arith.fptosi %broadcast_in_dim3A_86 : vector<1024x1xf32> to vector<1024x1xi32>
      %swap3A = arith.constant 0 : index
      %swap3A_88 = arith.constant 0 : index
      %swap3A_89 = vector.load %arg5[%swap3A, %swap3A_88] : memref<1024x128xf32, #tpu.memory_space<vmem>>, vector<1024x128xf32>
      tpu.vector_store %arg5[%swap3A, %swap3A_88], %add3A_67 {strides = array<i32>} : memref<1024x128xf32, #tpu.memory_space<vmem>>, vector<1024x128xf32>,
      %eq3A_90 = arith.constant 0 : i32
      %eq3A_91 = vector.broadcast %eq3A_90 : i32 to vector<1024x128xi32>
      %eq3A_92 = arith.cmpi eq, %iota3A, %eq3A_91 : vector<1024x128xi32>
      %eq3A_93 = arith.constant 1 : i32
      %eq3A_94 = vector.broadcast %eq3A_93 : i32 to vector<1024x128xi32>
      %eq3A_95 = arith.cmpi eq, %iota3A, %eq3A_94 : vector<1024x128xi32>
      %jit3A_96 = arith.constant 0 : i32
      %broadcast_in_dim3A_97 = vector.shape_cast %convert_element_type3A_87 : vector<1024x1xi32> to vector<1024x1xi32>
      %broadcast_in_dim3A_98 = vector.broadcast %broadcast_in_dim3A_97 : vector<1024x1xi32> to vector<1024x128xi32>
      %broadcast_in_dim3A_99 = vector.broadcast %jit3A_96 : i32 to vector<1024x128xi32>
      %select_n3A_100 = arith.select %eq3A_95, %broadcast_in_dim3A_98, %broadcast_in_dim3A_99 : vector<1024x128xi1>, vector<1024x128xi32>
      %broadcast_in_dim3A_101 = vector.shape_cast %convert_element_type3A_82 : vector<1024x1xi32> to vector<1024x1xi32>
      %broadcast_in_dim3A_102 = vector.broadcast %broadcast_in_dim3A_101 : vector<1024x1xi32> to vector<1024x128xi32>
      %select_n3A_103 = arith.select %eq3A_92, %broadcast_in_dim3A_102, %select_n3A_100 : vector<1024x128xi1>, vector<1024x128xi32>
      %swap3A_104 = arith.constant 0 : index
      %swap3A_105 = arith.constant 0 : index
      %swap3A_106 = vector.load %arg6[%swap3A_104, %swap3A_105] : memref<1024x128xi32, #tpu.memory_space<vmem>>, vector<1024x128xi32>
      tpu.vector_store %arg6[%swap3A_104, %swap3A_105], %select_n3A_103 {strides = array<i32>} : memref<1024x128xi32, #tpu.memory_space<vmem>>, vector<1024x128xi32>,
      %div3A_107 = arith.divf %broadcast_in_dim3A, %add3A_55 : vector<1024x1xf32>
      %broadcast_in_dim3A_108 = vector.shape_cast %div3A_107 : vector<1024x1xf32> to vector<1024x1xf32>
      %broadcast_in_dim3A_109 = vector.broadcast %broadcast_in_dim3A_108 : vector<1024x1xf32> to vector<1024x16xf32>
      %swap3A_110 = arith.constant 0 : index
      %swap3A_111 = arith.constant 0 : index
      %swap3A_112 = vector.load %arg7[%swap3A_110, %swap3A_111] : memref<1024x16xf32, #tpu.memory_space<vmem>>, vector<1024x16xf32>
      tpu.vector_store %arg7[%swap3A_110, %swap3A_111], %broadcast_in_dim3A_109 {strides = array<i32>} : memref<1024x16xf32, #tpu.memory_space<vmem>>, vector<1024x16xf32>,
      %div3A_113 = arith.divf %broadcast_in_dim3A_30, %add3A_55 : vector<1024x1xf32>
      %broadcast_in_dim3A_114 = vector.shape_cast %div3A_113 : vector<1024x1xf32> to vector<1024x1xf32>
      %broadcast_in_dim3A_115 = vector.broadcast %broadcast_in_dim3A_114 : vector<1024x1xf32> to vector<1024x16xf32>
      %swap3A_116 = arith.constant 0 : index
      %swap3A_117 = arith.constant 0 : index
      %swap3A_118 = vector.load %arg8[%swap3A_116, %swap3A_117] : memref<1024x16xf32, #tpu.memory_space<vmem>>, vector<1024x16xf32>
      tpu.vector_store %arg8[%swap3A_116, %swap3A_117], %broadcast_in_dim3A_115 {strides = array<i32>} : memref<1024x16xf32, #tpu.memory_space<vmem>>, vector<1024x16xf32>,
      %get3A_119 = arith.constant 0 : index
      %get3A_120 = arith.constant 0 : index
      %get3A_121 = vector.load %arg11[%get3A_119, %get3A_120] : memref<1x128xf32, #tpu.memory_space<vmem>>, vector<1x128xf32>
      %add3A_122 = arith.addf %get3A_121, %broadcast_in_dim3A_46 : vector<1x128xf32>
      %swap3A_123 = arith.constant 0 : index
      %swap3A_124 = arith.constant 0 : index
      %swap3A_125 = vector.load %arg11[%swap3A_123, %swap3A_124] : memref<1x128xf32, #tpu.memory_space<vmem>>, vector<1x128xf32>
      tpu.vector_store %arg11[%swap3A_123, %swap3A_124], %add3A_122 {strides = array<i32>} : memref<1x128xf32, #tpu.memory_space<vmem>>, vector<1x128xf32>,
    } else {
    }
    %eq3A_7 = arith.constant 1 : i32
    %eq3A_8 = arith.cmpi eq, %arg0, %eq3A_7 : i32
    %eq3A_9 = arith.constant 3 : i32
    %eq3A_10 = arith.cmpi eq, %arg1, %eq3A_9 : i32
    %and3A = arith.andi %eq3A_8, %eq3A_10 : i1
    %convert_element_type3A_11 = arith.extui %and3A : i1 to i32
    %cond3A_12 = arith.constant 0 : i32
    %cond3A_13 = arith.cmpi ne, %convert_element_type3A_11, %cond3A_12 : i32
    scf.if %cond3A_13 {
      %get3A = arith.constant 0 : index
      %get3A_14 = arith.constant 0 : index
      %get3A_15 = vector.load %arg12[%get3A, %get3A_14] : memref<1x128xf32, #tpu.memory_space<vmem>>, vector<1x128xf32>
      %get3A_16 = arith.constant 0 : index
      %get3A_17 = arith.constant 0 : index
      %get3A_18 = vector.load %arg10[%get3A_16, %get3A_17] : memref<1x128xf32, #tpu.memory_space<vmem>>, vector<1x128xf32>
      %div3A = arith.constant 1.280000e+02 : f32
      %div3A_19 = vector.broadcast %div3A : f32 to vector<1x128xf32>
      %div3A_20 = arith.divf %get3A_18, %div3A_19 : vector<1x128xf32>
      %ceil3A = math.ceil %div3A_20 : vector<1x128xf32>
      %mul3A = arith.constant 1.280000e+02 : f32
      %mul3A_21 = vector.broadcast %mul3A : f32 to vector<1x128xf32>
      %mul3A_22 = arith.mulf %ceil3A, %mul3A_21 : vector<1x128xf32>
      %div3A_23 = arith.constant 1.280000e+02 : f32
      %div3A_24 = vector.broadcast %div3A_23 : f32 to vector<1x128xf32>
      %div3A_25 = arith.divf %mul3A_22, %div3A_24 : vector<1x128xf32>
      %div3A_26 = arith.constant 1.280000e+02 : f32
      %div3A_27 = vector.broadcast %div3A_26 : f32 to vector<1x128xf32>
      %div3A_28 = arith.divf %get3A_15, %div3A_27 : vector<1x128xf32>
      %add3A = arith.addf %div3A_28, %div3A_25 : vector<1x128xf32>
      %iota3A_29 = tpu.iota {dimensions = array<i32: 0>} : vector<8x128xi32>
      %iota3A_30 = tpu.iota {dimensions = array<i32: 1>} : vector<8x128xi32>
      %eq3A_31 = arith.cmpi eq, %iota3A_30, %iota3A_29 : vector<8x128xi32>
      %convert_element_type3A_32 = arith.extui %eq3A_31 : vector<8x128xi1> to vector<8x128xi32>
      %convert_element_type3A_33 = arith.sitofp %convert_element_type3A_32 : vector<8x128xi32> to vector<8x128xf32>
      %broadcast_in_dim3A = vector.shape_cast %div3A_28 : vector<1x128xf32> to vector<1x128xf32>
      %broadcast_in_dim3A_34 = vector.broadcast %broadcast_in_dim3A : vector<1x128xf32> to vector<8x128xf32>
      %mul3A_35 = arith.mulf %broadcast_in_dim3A_34, %convert_element_type3A_33 : vector<8x128xf32>
      %reduce_sum3A = arith.constant dense<0.000000e+00> : vector<8xf32>
      %reduce_sum3A_36 = vector.multi_reduction <add>, %mul3A_35, %reduce_sum3A [1] : vector<8x128xf32> to vector<8xf32>
      %broadcast_in_dim3A_37 = vector.shape_cast %reduce_sum3A_36 : vector<8xf32> to vector<8x1xf32>
      %broadcast_in_dim3A_38 = vector.shape_cast %add3A : vector<1x128xf32> to vector<1x128xf32>
      %broadcast_in_dim3A_39 = vector.broadcast %broadcast_in_dim3A_38 : vector<1x128xf32> to vector<8x128xf32>
      %mul3A_40 = arith.mulf %broadcast_in_dim3A_39, %convert_element_type3A_33 : vector<8x128xf32>
      %reduce_sum3A_41 = arith.constant dense<0.000000e+00> : vector<8xf32>
      %reduce_sum3A_42 = vector.multi_reduction <add>, %mul3A_40, %reduce_sum3A_41 [1] : vector<8x128xf32> to vector<8xf32>
      %broadcast_in_dim3A_43 = vector.shape_cast %reduce_sum3A_42 : vector<8xf32> to vector<8x1xf32>
      %convert_element_type3A_44 = arith.sitofp %iota3A_30 : vector<8x128xi32> to vector<8x128xf32>
      %ge3A = vector.broadcast %broadcast_in_dim3A_37 : vector<8x1xf32> to vector<8x128xf32>
      %ge3A_45 = arith.cmpf oge, %convert_element_type3A_44, %ge3A : vector<8x128xf32>
      %lt3A = vector.broadcast %broadcast_in_dim3A_43 : vector<8x1xf32> to vector<8x128xf32>
      %lt3A_46 = arith.cmpf olt, %convert_element_type3A_44, %lt3A : vector<8x128xf32>
      %and3A_47 = arith.andi %ge3A_45, %lt3A_46 : vector<8x128xi1>
      %lt3A_48 = arith.constant 8 : i32
      %lt3A_49 = vector.broadcast %lt3A_48 : i32 to vector<8x128xi32>
      %lt3A_50 = arith.cmpi slt, %iota3A_29, %lt3A_49 : vector<8x128xi32>
      %and3A_51 = arith.andi %and3A_47, %lt3A_50 : vector<8x128xi1>
      %convert_element_type3A_52 = arith.sitofp %iota3A_29 : vector<8x128xi32> to vector<8x128xf32>
      %jit3A = arith.constant 0.000000e+00 : f32
      %broadcast_in_dim3A_53 = vector.broadcast %jit3A : f32 to vector<8x128xf32>
      %select_n3A = arith.select %and3A_51, %convert_element_type3A_52, %broadcast_in_dim3A_53 : vector<8x128xi1>, vector<8x128xf32>
      %reduce_sum3A_54 = arith.constant dense<0.000000e+00> : vector<128xf32>
      %reduce_sum3A_55 = vector.multi_reduction <add>, %select_n3A, %reduce_sum3A_54 [0] : vector<8x128xf32> to vector<128xf32>
      %broadcast_in_dim3A_56 = vector.shape_cast %reduce_sum3A_55 : vector<128xf32> to vector<1x128xf32>
      %reduce_sum3A_57 = arith.constant dense<0.000000e+00> : vector<1xf32>
      %reduce_sum3A_58 = vector.multi_reduction <add>, %div3A_25, %reduce_sum3A_57 [1] : vector<1x128xf32> to vector<1xf32>
      %broadcast_in_dim3A_59 = vector.shape_cast %reduce_sum3A_58 : vector<1xf32> to vector<1x1xf32>
      %iota3A_60 = tpu.iota {dimensions = array<i32: 1>} : vector<1x128xi32>
      %convert_element_type3A_61 = arith.sitofp %iota3A_60 : vector<1x128xi32> to vector<1x128xf32>
      %get3A_62 = arith.constant 0 : index
      %get3A_63 = arith.constant 0 : index
      %get3A_64 = vector.load %arg10[%get3A_62, %get3A_63] : memref<1x128xf32, #tpu.memory_space<vmem>>, vector<1x128xf32>
      %gt3A = arith.constant 0.000000e+00 : f32
      %gt3A_65 = vector.broadcast %gt3A : f32 to vector<1x128xf32>
      %gt3A_66 = arith.cmpf ogt, %get3A_64, %gt3A_65 : vector<1x128xf32>
      %jit3A_67 = arith.constant 0.000000e+00 : f32
      %broadcast_in_dim3A_68 = vector.broadcast %jit3A_67 : f32 to vector<1x128xf32>
      %select_n3A_69 = arith.select %gt3A_66, %convert_element_type3A_61, %broadcast_in_dim3A_68 : vector<1x128xi1>, vector<1x128xf32>
      %reduce_max3A = arith.constant dense<0xFF800000> : vector<1xf32>
      %reduce_max3A_70 = vector.multi_reduction <maximumf>, %select_n3A_69, %reduce_max3A [1] : vector<1x128xf32> to vector<1xf32>
      %broadcast_in_dim3A_71 = vector.shape_cast %reduce_max3A_70 : vector<1xf32> to vector<1x1xf32>
      %lt3A_72 = vector.broadcast %broadcast_in_dim3A_59 : vector<1x1xf32> to vector<1x128xf32>
      %lt3A_73 = arith.cmpf olt, %convert_element_type3A_61, %lt3A_72 : vector<1x128xf32>
      %broadcast_in_dim3A_74 = vector.shape_cast %broadcast_in_dim3A_71 : vector<1x1xf32> to vector<1x1xf32>
      %broadcast_in_dim3A_75 = vector.broadcast %broadcast_in_dim3A_74 : vector<1x1xf32> to vector<1x128xf32>
      %select_n3A_76 = arith.select %lt3A_73, %broadcast_in_dim3A_56, %broadcast_in_dim3A_75 : vector<1x128xi1>, vector<1x128xf32>
      %eq3A_77 = arith.constant 0 : i32
      %eq3A_78 = vector.broadcast %eq3A_77 : i32 to vector<8x128xi32>
      %eq3A_79 = arith.cmpi eq, %iota3A_29, %eq3A_78 : vector<8x128xi32>
      %broadcast_in_dim3A_80 = vector.shape_cast %select_n3A_76 : vector<1x128xf32> to vector<1x128xf32>
      %broadcast_in_dim3A_81 = vector.broadcast %broadcast_in_dim3A_80 : vector<1x128xf32> to vector<8x128xf32>
      %eq3A_82 = arith.constant 1 : i32
      %eq3A_83 = vector.broadcast %eq3A_82 : i32 to vector<8x128xi32>
      %eq3A_84 = arith.cmpi eq, %iota3A_29, %eq3A_83 : vector<8x128xi32>
      %convert_element_type3A_85 = arith.extui %lt3A_73 : vector<1x128xi1> to vector<1x128xi32>
      %convert_element_type3A_86 = arith.sitofp %convert_element_type3A_85 : vector<1x128xi32> to vector<1x128xf32>
      %broadcast_in_dim3A_87 = vector.shape_cast %convert_element_type3A_86 : vector<1x128xf32> to vector<1x128xf32>
      %broadcast_in_dim3A_88 = vector.broadcast %broadcast_in_dim3A_87 : vector<1x128xf32> to vector<8x128xf32>
      %jit3A_89 = arith.constant 0.000000e+00 : f32
      %broadcast_in_dim3A_90 = vector.broadcast %jit3A_89 : f32 to vector<8x128xf32>
      %select_n3A_91 = arith.select %eq3A_84, %broadcast_in_dim3A_88, %broadcast_in_dim3A_90 : vector<8x128xi1>, vector<8x128xf32>
      %select_n3A_92 = arith.select %eq3A_79, %broadcast_in_dim3A_81, %select_n3A_91 : vector<8x128xi1>, vector<8x128xf32>
      %convert_element_type3A_93 = arith.fptosi %select_n3A_92 : vector<8x128xf32> to vector<8x128xi32>
      %swap3A = arith.constant 0 : index
      %swap3A_94 = arith.constant 0 : index
      %swap3A_95 = vector.load %arg9[%swap3A, %swap3A_94] : memref<8x128xi32, #tpu.memory_space<vmem>>, vector<8x128xi32>
      tpu.vector_store %arg9[%swap3A, %swap3A_94], %convert_element_type3A_93 {strides = array<i32>} : memref<8x128xi32, #tpu.memory_space<vmem>>, vector<8x128xi32>,
    } else {
    }
    return
  }
  func.func @transform_0(%arg0: i32, %arg1: i32) -> (i32, i32) {
    %sub3A = arith.constant 1 : i32
    %sub3A_0 = arith.subi %sub3A, %arg0 : i32
    %mul3A = arith.muli %sub3A_0, %arg1 : i32
    %c0_i32 = arith.constant 0 : i32
    %c0_i32_1 = arith.constant 0 : i32
    return %mul3A, %c0_i32 : i32, i32
  }
  func.func @transform_1(%arg0: i32, %arg1: i32) -> (i32, i32) {
    %c0_i32 = arith.constant 0 : i32
    %c0_i32_0 = arith.constant 0 : i32
    %c0_i32_1 = arith.constant 0 : i32
    return %c0_i32, %c0_i32_0 : i32, i32
  }
  func.func @transform_2(%arg0: i32, %arg1: i32) -> (i32, i32) {
    %c0_i32 = arith.constant 0 : i32
    %c0_i32_0 = arith.constant 0 : i32
    %c0_i32_1 = arith.constant 0 : i32
    return %c0_i32, %c0_i32_0 : i32, i32
  }
  func.func @transform_3(%arg0: i32, %arg1: i32) -> (i32, i32) {
    %c0_i32 = arith.constant 0 : i32
    %c0_i32_0 = arith.constant 0 : i32
    return %arg1, %c0_i32 : i32, i32
  }
  func.func @transform_4(%arg0: i32, %arg1: i32) -> (i32, i32) {
    %c0_i32 = arith.constant 0 : i32
    %c0_i32_0 = arith.constant 0 : i32
    return %arg1, %c0_i32 : i32, i32
  }
  func.func @transform_5(%arg0: i32, %arg1: i32) -> (i32, i32) {
    %c0_i32 = arith.constant 0 : i32
    %c0_i32_0 = arith.constant 0 : i32
    return %arg1, %c0_i32 : i32, i32
  }
  func.func @transform_6(%arg0: i32, %arg1: i32) -> (i32, i32) {
    %c0_i32 = arith.constant 0 : i32
    %c0_i32_0 = arith.constant 0 : i32
    return %arg1, %c0_i32 : i32, i32
  }
  func.func @transform_7(%arg0: i32, %arg1: i32) -> (i32, i32) {
    %c0_i32 = arith.constant 0 : i32
    %c0_i32_0 = arith.constant 0 : i32
    %c0_i32_1 = arith.constant 0 : i32
    return %c0_i32, %c0_i32_0 : i32, i32
  }
}

module attributes {stable_mosaic.version = 14 : i64} {
  func.func @_gmm_body(%arg0: i32, %arg1: memref<8x128xi32, #tpu.memory_space<smem>>, %arg2: memref<128x1024xf32, #tpu.memory_space<vmem>>, %arg3: memref<1x1024x2048xf32, #tpu.memory_space<vmem>>, %arg4: memref<1x1x2048xf32, #tpu.memory_space<vmem>>, %arg5: memref<1x2048x128xf32, #tpu.memory_space<vmem>>, %arg6: memref<1x1x128xf32, #tpu.memory_space<vmem>>, %arg7: memref<128x128xf32, #tpu.memory_space<vmem>>) attributes {dimension_semantics = [#tpu.dimension_semantics<arbitrary>], iteration_bounds = array<i64: 72>, scalar_prefetch = 1 : i64, scratch_operands = 0 : i64, tpu.core_type = #tpu.core_type<tc>, window_params = [{transform_indices = @transform_0, window_bounds = array<i64: 128, 1024>}, {transform_indices = @transform_1, window_bounds = array<i64: 1, 1024, 2048>}, {transform_indices = @transform_2, window_bounds = array<i64: 1, 1, 2048>}, {transform_indices = @transform_3, window_bounds = array<i64: 1, 2048, 128>}, {transform_indices = @transform_4, window_bounds = array<i64: 1, 1, 128>}, {transform_indices = @transform_5, window_bounds = array<i64: 128, 128>}]} {
    %get3A = arith.constant 1 : index
    %get3A_0 = arith.index_cast %arg0 : i32 to index
    %get3A_1 = memref.load %arg1[%get3A, %get3A_0] : memref<8x128xi32, #tpu.memory_space<smem>>
    %eq3A = arith.constant 1 : i32
    %eq3A_2 = arith.cmpi eq, %get3A_1, %eq3A : i32
    %convert_element_type3A = arith.extui %eq3A_2 : i1 to i32
    %cond3A = arith.constant 0 : i32
    %cond3A_3 = arith.cmpi ne, %convert_element_type3A, %cond3A : i32
    scf.if %cond3A_3 {
      %get3A_4 = arith.constant 0 : index
      %get3A_5 = arith.constant 0 : index
      %get3A_6 = vector.load %arg2[%get3A_4, %get3A_5] : memref<128x1024xf32, #tpu.memory_space<vmem>>, vector<128x1024xf32>
      %get3A_7 = arith.constant 0 : index
      %get3A_8 = arith.constant 0 : index
      %get3A_9 = arith.constant 0 : index
      %get3A_10 = vector.load %arg3[%get3A_7, %get3A_8, %get3A_9] : memref<1x1024x2048xf32, #tpu.memory_space<vmem>>, vector<1x1024x2048xf32>
      %get3A_11 = vector.shape_cast %get3A_10 : vector<1x1024x2048xf32> to vector<1024x2048xf32>
      %dot_general3A = arith.constant dense<0.000000e+00> : vector<128x2048xf32>
      %dot_general3A_12 = tpu.matmul %get3A_6, %get3A_11, %dot_general3A {dimension_numbers = #tpu.dot_dimension_numbers<[1], [0], [0], [1], [0, 0, 1, 1], [], []>, transpose_lhs_hint = false} : vector<128x1024xf32>, vector<1024x2048xf32>, vector<128x2048xf32> -> vector<128x2048xf32>
      %get3A_13 = arith.constant 0 : index
      %get3A_14 = arith.constant 0 : index
      %get3A_15 = arith.constant 0 : index
      %get3A_16 = vector.load %arg4[%get3A_13, %get3A_14, %get3A_15] : memref<1x1x2048xf32, #tpu.memory_space<vmem>>, vector<1x1x2048xf32>
      %get3A_17 = vector.shape_cast %get3A_16 : vector<1x1x2048xf32> to vector<1x2048xf32>
      %add3A = vector.broadcast %get3A_17 : vector<1x2048xf32> to vector<128x2048xf32>
      %add3A_18 = arith.addf %dot_general3A_12, %add3A : vector<128x2048xf32>
      %max3A = arith.constant 0.000000e+00 : f32
      %max3A_19 = vector.broadcast %max3A : f32 to vector<128x2048xf32>
      %max3A_20 = arith.maximumf %add3A_18, %max3A_19 : vector<128x2048xf32>
      %get3A_21 = arith.constant 0 : index
      %get3A_22 = arith.constant 0 : index
      %get3A_23 = arith.constant 0 : index
      %get3A_24 = vector.load %arg5[%get3A_21, %get3A_22, %get3A_23] : memref<1x2048x128xf32, #tpu.memory_space<vmem>>, vector<1x2048x128xf32>
      %get3A_25 = vector.shape_cast %get3A_24 : vector<1x2048x128xf32> to vector<2048x128xf32>
      %dot_general3A_26 = arith.constant dense<0.000000e+00> : vector<128x128xf32>
      %dot_general3A_27 = tpu.matmul %max3A_20, %get3A_25, %dot_general3A_26 {dimension_numbers = #tpu.dot_dimension_numbers<[1], [0], [0], [1], [0, 0, 1, 1], [], []>, transpose_lhs_hint = false} : vector<128x2048xf32>, vector<2048x128xf32>, vector<128x128xf32> -> vector<128x128xf32>
      %get3A_28 = arith.constant 0 : index
      %get3A_29 = arith.constant 0 : index
      %get3A_30 = arith.constant 0 : index
      %get3A_31 = vector.load %arg6[%get3A_28, %get3A_29, %get3A_30] : memref<1x1x128xf32, #tpu.memory_space<vmem>>, vector<1x1x128xf32>
      %get3A_32 = vector.shape_cast %get3A_31 : vector<1x1x128xf32> to vector<1x128xf32>
      %add3A_33 = vector.broadcast %get3A_32 : vector<1x128xf32> to vector<128x128xf32>
      %add3A_34 = arith.addf %dot_general3A_27, %add3A_33 : vector<128x128xf32>
      %swap3A = arith.constant 0 : index
      %swap3A_35 = arith.constant 0 : index
      %swap3A_36 = vector.load %arg7[%swap3A, %swap3A_35] : memref<128x128xf32, #tpu.memory_space<vmem>>, vector<128x128xf32>
      tpu.vector_store %arg7[%swap3A, %swap3A_35], %add3A_34 {strides = array<i32>} : memref<128x128xf32, #tpu.memory_space<vmem>>, vector<128x128xf32>,
    } else {
    }
    return
  }
  func.func @transform_0(%arg0: i32, %arg1: memref<8x128xi32, #tpu.memory_space<smem>>) -> (i32, i32) {
    %c0_i32 = arith.constant 0 : i32
    %c0_i32_0 = arith.constant 0 : i32
    return %arg0, %c0_i32 : i32, i32
  }
  func.func @transform_1(%arg0: i32, %arg1: memref<8x128xi32, #tpu.memory_space<smem>>) -> (i32, i32, i32) {
    %get3A = arith.constant 0 : index
    %get3A_0 = arith.index_cast %arg0 : i32 to index
    %get3A_1 = memref.load %arg1[%get3A, %get3A_0] : memref<8x128xi32, #tpu.memory_space<smem>>
    %c0_i32 = arith.constant 0 : i32
    %c0_i32_2 = arith.constant 0 : i32
    %c0_i32_3 = arith.constant 0 : i32
    return %get3A_1, %c0_i32, %c0_i32_2 : i32, i32, i32
  }
  func.func @transform_2(%arg0: i32, %arg1: memref<8x128xi32, #tpu.memory_space<smem>>) -> (i32, i32, i32) {
    %get3A = arith.constant 0 : index
    %get3A_0 = arith.index_cast %arg0 : i32 to index
    %get3A_1 = memref.load %arg1[%get3A, %get3A_0] : memref<8x128xi32, #tpu.memory_space<smem>>
    %c0_i32 = arith.constant 0 : i32
    %c0_i32_2 = arith.constant 0 : i32
    %c0_i32_3 = arith.constant 0 : i32
    return %get3A_1, %c0_i32, %c0_i32_2 : i32, i32, i32
  }
  func.func @transform_3(%arg0: i32, %arg1: memref<8x128xi32, #tpu.memory_space<smem>>) -> (i32, i32, i32) {
    %get3A = arith.constant 0 : index
    %get3A_0 = arith.index_cast %arg0 : i32 to index
    %get3A_1 = memref.load %arg1[%get3A, %get3A_0] : memref<8x128xi32, #tpu.memory_space<smem>>
    %c0_i32 = arith.constant 0 : i32
    %c0_i32_2 = arith.constant 0 : i32
    %c0_i32_3 = arith.constant 0 : i32
    return %get3A_1, %c0_i32, %c0_i32_2 : i32, i32, i32
  }
  func.func @transform_4(%arg0: i32, %arg1: memref<8x128xi32, #tpu.memory_space<smem>>) -> (i32, i32, i32) {
    %get3A = arith.constant 0 : index
    %get3A_0 = arith.index_cast %arg0 : i32 to index
    %get3A_1 = memref.load %arg1[%get3A, %get3A_0] : memref<8x128xi32, #tpu.memory_space<smem>>
    %c0_i32 = arith.constant 0 : i32
    %c0_i32_2 = arith.constant 0 : i32
    %c0_i32_3 = arith.constant 0 : i32
    return %get3A_1, %c0_i32, %c0_i32_2 : i32, i32, i32
  }
  func.func @transform_5(%arg0: i32, %arg1: memref<8x128xi32, #tpu.memory_space<smem>>) -> (i32, i32) {
    %c0_i32 = arith.constant 0 : i32
    %c0_i32_0 = arith.constant 0 : i32
    return %arg0, %c0_i32 : i32, i32
  }
}

</mosaic_0001>

<sc_bundles>
// kernel: kernel.6.cloned.1.call-start
scs
__scs_entry_jumppad:
0x0: {  	(pc) =	sbr.rel $0x88, $3  }
0x1: {  	(tag) =	ssettag $0x0;
	lr =	simm.s32 $0x1  }
0x2: {  	[smem:$0x3F9A] =	sst lr;
	_ =	strace $0xD0000000  }
0x3: {  	_ = 	snop  }
0x4: {  	_ = 	snop  }
0x5: {  	_ = 	snop  }
0x6: {  	_ = 	snop  }
0x7: {  	_ = 	snop  }
__scs_overlays_trampoline_lowered:
0x8: {  	[smem:$0x3FA9] =	sst s0  }
0x9: {  	[smem:$0x3FAA] =	sst s1  }
0xa: {  	[smem:$0x3FAB] =	sst s2  }
0xb: {  	[smem:$0x3FAC] =	sst s3  }
0xc: {  	[smem:$0x3FAD] =	sst s4  }
0xd: {  	[smem:$0x3FAE] =	sst s5  }
0xe: {  	[smem:$0x3FAF] =	sst s6  }
0xf: {  	[smem:$0x3FB0] =	sst s7  }
0x10: {  	[smem:$0x3FB1] =	sst s8  }
0x11: {  	[smem:$0x3FB2] =	sst s9;
	s0 =	simm.s32 @!p0 $0x0  }
0x12: {  	s1 =	sld [smem:$0x3F98];
	s0 =	simm.s32 @p0 $0x1  }
0x13: {  	[smem:$0x3FB3] =	sst s0;
	s0 =	simm.s32 @!p1 $0x0  }
0x14: {  	s2 =	sld [smem:$0x3F97];
	s0 =	simm.s32 @p1 $0x1  }
0x15: {  	[smem:$0x3FB4] =	sst s0;
	s0 =	simm.s32 @!p2 $0x0  }
0x16: {  	s3 =	sld [smem:$0x3FDB];
	s0 =	simm.s32 @p2 $0x1  }
0x17: {  	s4 =	simm.s32 $0x1BF5;
	[smem:$0x3FB6] =	sst s0  }
0x18: {  	s0 =	sld [smem:$0x3F99];
	_ =	swait.ge [sflag:s4], $0x0  }
0x19: {  	s7 =	sld [smem:$0x3F9A]  }
0x1a: {  	s8 =	sadd.s32 $0xFFFFE003, lr  }
0x1b: {  	s9 =	sadd.s32 $0xFFFFFEF7, lr;
	s5 =	simm.s32 $0xFFFFFFFF;
	p2 =	slt.u32 s8, $0xFFFFF086  }
0x1c: {  	p1 =	slt.u32 s9, $0xF7A;
	s5 =	simm.s32 @!p2 $0x0  }
0x1d: {  	s5 =	simm.s32 @p1 $0x1;
	p0 =	seq.s32 s7, s2  }
0x1e: {  	s7 =	smul.u32 @!p0 $0xF7A, s2;
	p2 =	seq.s32 @!p0 s5, $0x0  }
0x1f: {  	s9 =	smul.u32 $0xF7A, s1;
	s8 =	simm.s32 @!p0 $0x1BF5;
	p2 =	por !p2, p0  }
0x20: {  	[sflag:s8] =	ssyncset.s32 @!p0 $0xFFFFF086;
	s6 =	sadd.s32 @!p0 s3, s7;
	s7 =	simm.s32 @!p0 $0x108  }
0x21: {  	s3 =	sadd.s32 s3, s9;
	s6 =	sadd.s32 @!p0 $0x88, s6;
	s7 =	simm.s32 @p2 $0x1082  }
0x22: {  	[simem:s7], [sflag:s8] =	dma.local @!p0 [hbm:s6], $0xF7A  }
0x23: {  	s9 =	sor.u32 $0xD0000000, s2;
	s6 =	simm.s32 $0x108;
	_ =	swait.ge @!p0 [sflag:s8], $0x0  }
0x24: {  	s3 =	sadd.s32 $0x88, s3;
	s6 =	simm.s32 @!p1 $0x1082;
	[sflag:s4] =	ssyncset.s32 $0xFFFFF086  }
0x25: {  	[simem:s6], [sflag:s4] =	dma.local [hbm:s3], $0xF7A  }
0x26: {  	[smem:$0x3F9A] =	sst s1;
	(tag) =	ssettag s2;
	_ =	strace s9  }
0x27: {  	s1 =	sld [smem:$0x3FAA]  }
0x28: {  	s2 =	sld [smem:$0x3FAB]  }
0x29: {  	s4 =	sld [smem:$0x3FAD]  }
0x2a: {  	p0 =	seq.s32 s5, $0x0;
	s5 =	sld [smem:$0x3FAE]  }
0x2b: {  	s6 =	sld [smem:$0x3FAF]  }
0x2c: {  	s7 =	sld [smem:$0x3FB0]  }
0x2d: {  	s3 =	simm.s32 $0x108;
	s8 =	sld [smem:$0x3FB1]  }
0x2e: {  	s3 =	simm.s32 @!p0 $0x1082;
	s9 =	sld [smem:$0x3FB2]  }
0x2f: {  	lr =	sadd.s32 s0, s3;
	s0 =	sld [smem:$0x3FA9]  }
0x30: {  	s3 =	sld [smem:$0x3FAC]  }
0x31: {  	[smem:$0x3FB5] =	sst s10  }
0x32: {  	s10 =	sld [smem:$0x3FB3];
	_ =	sdelay $0x3  }
0x33: {  	p0 =	seq.s32 s10, $0x1;
	s10 =	sld [smem:$0x3FB5];
	_ =	sdelay $0x3  }
0x34: {  	[smem:$0x3FB5] =	sst s10  }
0x35: {  	s10 =	sld [smem:$0x3FB4];
	_ =	sdelay $0x3  }
0x36: {  	p1 =	seq.s32 s10, $0x1;
	s10 =	sld [smem:$0x3FB5];
	_ =	sdelay $0x3  }
0x37: {  	[smem:$0x3FB5] =	sst s10  }
0x38: {  	s10 =	sld [smem:$0x3FB6]  }
0x39: {  	_ = 	snop;
	(pc) =	sbr.ind lr, $3  }
0x3a: {  	_ = 	snop  }
0x3b: {  	_ = 	snop  }
0x3c: {  	p2 =	seq.s32 s10, $0x1;
	s10 =	sld [smem:$0x3FB5]  }
0x3d: {  	_ =	shalt  }
0x3e: {  	_ =	shalt  }
0x3f: {  	_ =	shalt  }
0x40: {  	_ =	shalt  }
0x41: {  	_ =	shalt  }
0x42: {  	_ =	shalt  }
0x43: {  	_ =	shalt  }
0x44: {  	_ =	shalt  }
0x45: {  	_ =	shalt  }
0x46: {  	_ =	shalt  }
0x47: {  	_ =	shalt  }
0x48: {  	_ =	shalt  }
0x49: {  	_ =	shalt  }
0x4a: {  	_ =	shalt  }
0x4b: {  	_ =	shalt  }
0x4c: {  	_ =	shalt  }
0x4d: {  	_ =	shalt  }
0x4e: {  	_ =	shalt  }
0x4f: {  	_ =	shalt  }
0x50: {  	_ =	shalt  }
0x51: {  	_ =	shalt  }
0x52: {  	_ =	shalt  }
0x53: {  	_ =	shalt  }
0x54: {  	_ =	shalt  }
0x55: {  	_ =	shalt  }
0x56: {  	_ =	shalt  }
0x57: {  	_ =	shalt  }
0x58: {  	_ =	shalt  }
0x59: {  	_ =	shalt  }
0x5a: {  	_ =	shalt  }
0x5b: {  	_ =	shalt  }
0x5c: {  	_ =	shalt  }
0x5d: {  	_ =	shalt  }
0x5e: {  	_ =	shalt  }
0x5f: {  	_ =	shalt  }
0x60: {  	_ =	shalt  }
0x61: {  	_ =	shalt  }
0x62: {  	_ =	shalt  }
0x63: {  	_ =	shalt  }
0x64: {  	_ =	shalt  }
0x65: {  	_ =	shalt  }
0x66: {  	_ =	shalt  }
0x67: {  	_ =	shalt  }
0x68: {  	_ =	shalt  }
0x69: {  	_ =	shalt  }
0x6a: {  	_ =	shalt  }
0x6b: {  	_ =	shalt  }
0x6c: {  	_ =	shalt  }
0x6d: {  	_ =	shalt  }
0x6e: {  	_ =	shalt  }
0x6f: {  	_ =	shalt  }
0x70: {  	_ =	shalt  }
0x71: {  	_ =	shalt  }
0x72: {  	_ =	shalt  }
0x73: {  	_ =	shalt  }
0x74: {  	_ =	shalt  }
0x75: {  	_ =	shalt  }
0x76: {  	_ =	shalt  }
0x77: {  	_ =	shalt  }
0x78: {  	_ =	shalt  }
0x79: {  	_ =	shalt  }
0x7a: {  	_ =	shalt  }
0x7b: {  	_ =	shalt  }
0x7c: {  	_ =	shalt  }
0x7d: {  	_ =	shalt  }
0x7e: {  	_ =	shalt  }
0x7f: {  	_ =	shalt  }
0x80: {  	_ =	shalt  }
0x81: {  	_ =	shalt  }
0x82: {  	_ =	shalt  }
0x83: {  	_ =	shalt  }
0x84: {  	_ =	shalt  }
0x85: {  	_ =	shalt  }
0x86: {  	_ =	shalt  }
0x87: {  	_ =	shalt  }
.Lfunc_end0:
.L_simem_size_0:
called_computation_lowered:
.L_overlay_start_0:
0x88: {  	s2 =	sld [smem:$0x3FD9]  }
0x89: {  	s3 =	sld [smem:$0x3FFE];
	_ =	sdelay $0x1  }
0x8a: {  	s1 =	srdreg.scid  }
0x8b: {  	s0 =	sand.u32 $0x1, s1  }
0x8c: {  	s14 =	sshll.u32 s0, $0xA;
	s2 =	sadd.s32 s3, s2  }
0x8d: {  	s2 =	sadd.s32 s2, s14  }
0x8e: {  	[smem:$0x3FC1] =	sst s2  }
0x8f: {  	_ = 	snop  }
0x90: {  	s2 =	sld [smem:$0x3FD0];
	_ =	sdelay $0x2  }
0x91: {  	s4 =	simm.s32 $0xA;
	s5 =	simm.s32 $0x10;
	s15 =	sld [smem:$0x3FC9]  }
0x92: {  	[smem:s5], [sflag:s4] =	dma.local [hbm:s2], $0x1  }
0x93: {  	_ =	swait.eq [sflag:s4], $0x1  }
0x94: {  	[sflag:s4] =	ssyncset.done $0x0  }
0x95: {  	[sflag:s4] =	ssyncadd.s32 $0xFFFFFFFF  }
0x96: {  	s16 =	sld [smem:$0x10];
	(tm) =	ssettm $0x1  }
0x97: {  	s17 =	sld [smem:$0x3FFB];
	_ =	sdelay $0x3  }
0x98: {  	_ =	strace s17  }
0x99: {  	s4 =	sld [smem:$0x3FFC];
	_ =	sdelay $0x3  }
0x9a: {  	_ =	strace s4  }
0x9b: {  	s4 =	sld [smem:$0x3FFD];
	_ =	sdelay $0x3  }
0x9c: {  	_ =	strace s4  }
0x9d: {  	_ =	strace $0x8FFFFFFF  }
0x9e: {  	s18 =	sld [smem:$0x3FDB];
	_ =	sdelay $0x1  }
0x9f: {  	s19 =	simm.s32 $_scs_section_size  }
0xa0: {  	s6 =	simm.s32 $_size__tile_overlayer_lowered;
	s7 =	simm.s32 $_tile_overlayer_lowered  }
0xa1: {  	s22 =	simm.s32 $0x1BFF;
	s21 =	sshll.u32 s7, $0x1;
	s4 =	sadd.s32 s19, s18  }
0xa2: {  	s8 =	simm.s32 $0x0;
	s20 =	sshll.u32 s6, $0x1;
	s6 =	sadd.s32 s21, s4  }
0xa3: {  	[timem:s8], [sflag:s22] =	dma.local [hbm:s6], s20  }
0xa4: {  	_ =	swait.ge [sflag:s22], s20  }
0xa5: {  	s5 =	ssub.s32 $0x0, s20;
	[sflag:s22] =	ssyncset.done $0x0  }
0xa6: {  	[sflag:s22] =	ssyncadd.s32 s5;
	_ =	sdelay $0x1  }
0xa7: {  	s23 =	simm.s32 $0x1B8B  }
0xa8: {  	_ =	swait.ge [sflag:s23], $0x1  }
0xa9: {  	[sflag:s23] =	ssyncset.done $0x0  }
0xaa: {  	s25 =	simm.s32 $0x1B8E;
	s24 =	sld [smem:$0x3FFE];
	[sflag:s23] =	ssyncadd.s32 $0xFFFFFFFF  }
0xab: {  	s26 =	simm.s32 $execute0_lowered;
	[smem:$0x3FD2] =	sst s25  }
0xac: {  	s6 =	sshll.u32 s26, $0x1;
	_ =	strace $0x80000046;
	[dreg:$0x1] =	wrdreg $0xFFFFFFFF  }
0xad: {  	s28 =	simm.s32 $_size_execute0_lowered;
	s4 =	sadd.s32 s4, s6;
	[dreg:$0x0] =	wrdreg $0x0  }
0xae: {  	s6 =	sshll.u32 s28, $0x1;
	[dreg:$0x2] =	wrdreg s4  }
0xaf: {  	[dreg:$0x3] =	wrdreg s6  }
0xb0: {  	[dreg:$0x4] =	wrdreg $0xC0  }
0xb1: {  	_ =	task [dreg:s8], $0x5FFFF  }
0xb2: {  	[dreg:$0x1] =	wrdreg $0xFFFFFFFF  }
0xb3: {  	[dreg:$0x0] =	wrdreg $0x60  }
0xb4: {  	[dreg:$0x2] =	wrdreg s15  }
0xb5: {  	[dreg:$0x3] =	wrdreg s24  }
0xb6: {  	[dreg:$0x4] =	wrdreg s16  }
0xb7: {  	[dreg:$0x5] =	wrdreg $0x9  }
0xb8: {  	_ =	task.clear_ibuf [dreg:s8], $0x6FFFF;
	_ =	strace $0x90000046  }
0xb9: {  	s29 =	simm.s32 $0x9;
	_ =	strace $0x80000048  }
0xba: {  	_ =	swait.ge [sflag:s29], $0x1  }
0xbb: {  	[sflag:s29] =	ssyncadd.s32 $0xFFFFFFFF  }
0xbc: {  	_ =	strace $0x90000048  }
0xbd: {  	_ =	sfence  }
0xbe: {  	s30 =	sld [smem:$0x0];
	_ =	sdelay $0x2  }
0xbf: {  	s31 =	sshll.u32 s1, $0xD;
	s1 =	sshrl.u32 s1, $0x2  }
0xc0: {  	s3 =	sand.u32 $0x4000, s31;
	s1 =	sadd.s32 s1, s30  }
0xc1: {  	s0 =	sor.u32 s3, s0;
	s1 =	sshll.u32 s1, $0x11  }
0xc2: {  	s0 =	sor.u32 s1, s0  }
0xc3: {  	s0 =	sadd.s32 $0x8F2B, s0  }
0xc4: {  	[sflag:s0] =	ssyncadd.remote.s32 $0x1  }
0xc5: {  	_ =	sfence.sel $0xFFFF  }
0xc6: {  	[dreg:$0x0] =	wrdreg $0xFFFFFFFF;
	(pc) =	sbr.abs _section_cstart, $3  }
0xc7: {  	[dreg:$0x1] =	wrdreg $0xFFFFFFFF  }
0xc8: {  	_ =	task.clear_ibuf [dreg:s8], $0x2FFFF;
	_ =	strace $0x9FFFFFFF  }
0xc9: {  	(tm) =	ssettm $0x7FFFFFFF  }
tec
execute0_lowered:
.L_overlay_start_1:
0x0: {  	(tag) =	ssettag $0x1  }
0x1: {  	s1 =	rddreg [dreg:$0x0];
	s2 =	srdreg.scid  }
0x2: {  	s6 =	rddreg [dreg:$0x1];
	s0 =	stileid.u32  }
0x3: {  	s8 =	rddreg [dreg:$0x2];
	s13 =	simm.s32 $0x800;
	s14 =	simm.s32 $0x1000  }
0x4: {  	s15 =	simm.s32 $0x1800;
	s16 =	simm.s32 $0x2000;
	s17 =	simm.s32 $0x2800  }
0x5: {  	s18 =	simm.s32 $0x3000;
	s19 =	simm.s32 $0x3800;
	s20 =	simm.s32 $0x4000  }
0x6: {  	s21 =	simm.s32 $0x4800;
	s22 =	simm.s32 $0x5000;
	s23 =	simm.s32 $0x5800  }
0x7: {  	s24 =	simm.s32 $0x6000;
	s25 =	simm.s32 $0x6800;
	s28 =	simm.s32 $0x7800  }
0x8: {  	s29 =	simm.s32 $0x1;
	s30 =	simm.s32 $0x0;
	s7 =	sand.u32 $0x1, s2  }
0x9: {  	s3 =	sshll.u32 s0, $0x8;
	s2 =	simm.s32 $0x0;
	s12 =	sshll.u32 s0, $0xF  }
0xa: {  	s4 =	sshll.u32 s7, $0x7;
	[smem:$0x7FF] =	sst s2;
	s26 =	ssub.s32 $0x2, s7  }
0xb: {  	s1 =	sadd.s32 s12, s1;
	s31 =	sshll.u32 s7, $0xE;
	s12 =	simm.s32 $0x8080  }
0xc: {  	s3 =	sor.u32 s4, s3;
	_ =	strace $0x80000047;
	s5 =	sshrl.u32 s26, $0x1  }
0xd: {  	s4 =	sadd.s32 $0x21100, s6;
	s9 =	sshrl.u32 s3, $0x3;
	s3 =	sadd.s32 $0x21000, s6  }
0xe: {  	s11 =	ssub.s32 s26, s5;
	s5 =	sadd.s32 $0x21200, s6;
	s26 =	simm.s32 $0x7000  }
0xf: {  	v2 =	vlaneseq.u32;
	s10 =	sadd.s32 s9, s6;
	s6 =	sadd.s32 $0x21300, s6;
	s9 =	sadd.s32 s9, s8  }
0x10: {  	vm0 =	vmmov $0xffff;
	v1 =	vshrl.u32 v2, $0x3;
	s7 =	smax.u32 s11, $0x1;
	s8 =	sadd.s32 s31, s1;
	s11 =	simm.s32 $0x8000  }
0x11: {  	v0 =	vand.u32 $0x7, v2;
	v2 =	vor.u32 $0x8, v2;
	v1 =	vmul.u32 $0x8, v1;
	[dreg:$0x4] =	wrdreg s9;
	s9 =	sadd.s32 $0x20E00, s10;
	s10 =	simm.s32 $0x2  }
.LBB2_1:
0x12: {  	s31 =	smov.u32 s8;
	s1 =	simm.s32 $0x0  }
.LBB2_2:
0x13: {  	[tilespmem:s2], [sflag:$0x2] =	stream.linear.gather [hbm4b:s31+s2], $0x8000, $0x38;
	[tilespmem:$0x8100] =	vst v63  }
0x14: {  	_ =	swait.ge [sflag:s10], $0x8000  }
0x15: {  	[sflag:s10] =	ssyncset.done $0x0  }
0x16: {  	s0 =	sadd.s32 s1, s9;
	[sflag:s10] =	ssyncadd.s32 $0xFFFF8000  }
0x17: {  	[tilespmem:s11], [sflag:$0x2] =	stream.linear.gather [hbm4b:s0+s2], $0x20, $0x38;
	[tilespmem:$0x8100] =	vst v63  }
0x18: {  	_ =	swait.ge [sflag:s10], $0x20  }
0x19: {  	s0 =	rddreg [dreg:$0x4];
	[sflag:s10] =	ssyncset.done $0x0  }
0x1a: {  	[sflag:s10] =	ssyncadd.s32 $0xFFFFFFE0;
	s0 =	sadd.s32 s1, s0  }
0x1b: {  	[tilespmem:s12], [sflag:$0x2] =	stream.linear.gather [hbm4b:s0+s2], $0x20, $0x38;
	[tilespmem:$0x8100] =	vst v63  }
0x1c: {  	_ =	swait.ge [sflag:s10], $0x20  }
0x1d: {  	[sflag:s10] =	ssyncset.done $0x0  }
0x1e: {  	[sflag:s10] =	ssyncadd.s32 $0xFFFFFFE0  }
0x1f: {  	v3 =	vld [tilespmem:$0x8000];
	_ =	sdelay $0x4  }
0x20: {  	v4 =	vshll.u32 v3, $0x3  }
0x21: {  	v3 =	vand.u32 $0x7, v3;
	v4 =	vand.u32 $0xFFFFFFC0, v4  }
0x22: {  	v3 =	vor.u32 v3, v4  }
0x23: {  	v4 =	vperm.xlane v3, v0;
	_ =	sdelay $0x1  }
0x24: {  	v4 =	vadd.s32 v1, v4;
	_ =	sdelay $0x4  }
0x25: {  	[hbm4b:s3+s2] =	stream.indirect_vreg.scatter [tilespmem:s2], [sflag:$0x1], $0x80, v4, vm0, $0xb8;
	[tilespmem:$0x8100] =	vst v63  }
0x26: {  	v3 =	vperm.xlane v3, v2  }
0x27: {  	[hbm4b:s4+s2] =	stream.indirect_vreg.scatter [tilespmem:s13], [sflag:$0x1], $0x80, v4, vm0, $0xb8;
	[tilespmem:$0x8100] =	vst v63  }
0x28: {  	v3 =	vadd.s32 v1, v3  }
0x29: {  	[hbm4b:s5+s2] =	stream.indirect_vreg.scatter [tilespmem:s14], [sflag:$0x1], $0x80, v4, vm0, $0xb8;
	[tilespmem:$0x8100] =	vst v63  }
0x2a: {  	_ = 	snop  }
0x2b: {  	[hbm4b:s6+s2] =	stream.indirect_vreg.scatter [tilespmem:s15], [sflag:$0x1], $0x80, v4, vm0, $0xb8;
	[tilespmem:$0x8100] =	vst v63  }
0x2c: {  	_ = 	snop  }
0x2d: {  	[hbm4b:s3+s2] =	stream.indirect_vreg.scatter [tilespmem:s16], [sflag:$0x1], $0x80, v3, vm0, $0xb8;
	[tilespmem:$0x8100] =	vst v63  }
0x2e: {  	_ = 	snop  }
0x2f: {  	[hbm4b:s4+s2] =	stream.indirect_vreg.scatter [tilespmem:s17], [sflag:$0x1], $0x80, v3, vm0, $0xb8;
	[tilespmem:$0x8100] =	vst v63  }
0x30: {  	_ = 	snop  }
0x31: {  	[hbm4b:s5+s2] =	stream.indirect_vreg.scatter [tilespmem:s18], [sflag:$0x1], $0x80, v3, vm0, $0xb8;
	[tilespmem:$0x8100] =	vst v63  }
0x32: {  	_ = 	snop  }
0x33: {  	[hbm4b:s6+s2] =	stream.indirect_vreg.scatter [tilespmem:s19], [sflag:$0x1], $0x80, v3, vm0, $0xb8;
	[tilespmem:$0x8100] =	vst v63  }
0x34: {  	v3 =	vld [tilespmem:$0x8010];
	_ =	sdelay $0x4  }
0x35: {  	v61 =	vshll.u32 v3, $0x3  }
0x36: {  	v3 =	vand.u32 $0x7, v3;
	v4 =	vand.u32 $0xFFFFFFC0, v61  }
0x37: {  	v3 =	vor.u32 v3, v4  }
0x38: {  	v4 =	vperm.xlane v3, v0;
	_ =	sdelay $0x1  }
0x39: {  	v4 =	vadd.s32 v1, v4;
	_ =	sdelay $0x4  }
0x3a: {  	[hbm4b:s3+s2] =	stream.indirect_vreg.scatter [tilespmem:s20], [sflag:$0x1], $0x80, v4, vm0, $0xb8;
	[tilespmem:$0x8100] =	vst v63  }
0x3b: {  	v3 =	vperm.xlane v3, v2  }
0x3c: {  	[hbm4b:s4+s2] =	stream.indirect_vreg.scatter [tilespmem:s21], [sflag:$0x1], $0x80, v4, vm0, $0xb8;
	[tilespmem:$0x8100] =	vst v63  }
0x3d: {  	v3 =	vadd.s32 v1, v3  }
0x3e: {  	[hbm4b:s5+s2] =	stream.indirect_vreg.scatter [tilespmem:s22], [sflag:$0x1], $0x80, v4, vm0, $0xb8;
	[tilespmem:$0x8100] =	vst v63  }
0x3f: {  	_ = 	snop  }
0x40: {  	[hbm4b:s6+s2] =	stream.indirect_vreg.scatter [tilespmem:s23], [sflag:$0x1], $0x80, v4, vm0, $0xb8;
	[tilespmem:$0x8100] =	vst v63  }
0x41: {  	_ = 	snop  }
0x42: {  	[hbm4b:s3+s2] =	stream.indirect_vreg.scatter [tilespmem:s24], [sflag:$0x1], $0x80, v3, vm0, $0xb8;
	[tilespmem:$0x8100] =	vst v63  }
0x43: {  	_ = 	snop  }
0x44: {  	[hbm4b:s4+s2] =	stream.indirect_vreg.scatter [tilespmem:s25], [sflag:$0x1], $0x80, v3, vm0, $0xb8;
	[tilespmem:$0x8100] =	vst v63  }
0x45: {  	_ = 	snop  }
0x46: {  	[hbm4b:s5+s2] =	stream.indirect_vreg.scatter [tilespmem:s26], [sflag:$0x1], $0x80, v3, vm0, $0xb8;
	[tilespmem:$0x8100] =	vst v63  }
0x47: {  	_ = 	snop  }
0x48: {  	[hbm4b:s6+s2] =	stream.indirect_vreg.scatter [tilespmem:s28], [sflag:$0x1], $0x80, v3, vm0, $0xb8;
	[tilespmem:$0x8100] =	vst v63  }
0x49: {  	v3 =	vld [tilespmem:$0x8080];
	_ =	sdelay $0x4  }
0x4a: {  	v62 =	vshll.u32 v3, $0x3  }
0x4b: {  	v3 =	vand.u32 $0x7, v3;
	v4 =	vand.u32 $0xFFFFFFC0, v62  }
0x4c: {  	v3 =	vor.u32 v3, v4  }
0x4d: {  	v4 =	vperm.xlane v3, v0;
	_ =	sdelay $0x1  }
0x4e: {  	v4 =	vadd.s32 v1, v4;
	_ =	sdelay $0x4  }
0x4f: {  	[hbm4b:s3+s2] =	stream.indirect_vreg.scatter [tilespmem:s2], [sflag:$0x1], $0x80, v4, vm0, $0xb8;
	[tilespmem:$0x8100] =	vst v63  }
0x50: {  	v3 =	vperm.xlane v3, v2  }
0x51: {  	[hbm4b:s4+s2] =	stream.indirect_vreg.scatter [tilespmem:s13], [sflag:$0x1], $0x80, v4, vm0, $0xb8;
	[tilespmem:$0x8100] =	vst v63  }
0x52: {  	v3 =	vadd.s32 v1, v3  }
0x53: {  	[hbm4b:s5+s2] =	stream.indirect_vreg.scatter [tilespmem:s14], [sflag:$0x1], $0x80, v4, vm0, $0xb8;
	[tilespmem:$0x8100] =	vst v63  }
0x54: {  	_ = 	snop  }
0x55: {  	[hbm4b:s6+s2] =	stream.indirect_vreg.scatter [tilespmem:s15], [sflag:$0x1], $0x80, v4, vm0, $0xb8;
	[tilespmem:$0x8100] =	vst v63  }
0x56: {  	_ = 	snop  }
0x57: {  	[hbm4b:s3+s2] =	stream.indirect_vreg.scatter [tilespmem:s16], [sflag:$0x1], $0x80, v3, vm0, $0xb8;
	[tilespmem:$0x8100] =	vst v63  }
0x58: {  	_ = 	snop  }
0x59: {  	[hbm4b:s4+s2] =	stream.indirect_vreg.scatter [tilespmem:s17], [sflag:$0x1], $0x80, v3, vm0, $0xb8;
	[tilespmem:$0x8100] =	vst v63  }
0x5a: {  	_ = 	snop  }
0x5b: {  	[hbm4b:s5+s2] =	stream.indirect_vreg.scatter [tilespmem:s18], [sflag:$0x1], $0x80, v3, vm0, $0xb8;
	[tilespmem:$0x8100] =	vst v63  }
0x5c: {  	_ = 	snop  }
0x5d: {  	[hbm4b:s6+s2] =	stream.indirect_vreg.scatter [tilespmem:s19], [sflag:$0x1], $0x80, v3, vm0, $0xb8;
	[tilespmem:$0x8100] =	vst v63  }
0x5e: {  	v3 =	vld [tilespmem:$0x8090];
	_ =	sdelay $0x4  }
0x5f: {  	v63 =	vshll.u32 v3, $0x3  }
0x60: {  	v3 =	vand.u32 $0x7, v3;
	v4 =	vand.u32 $0xFFFFFFC0, v63  }
0x61: {  	v3 =	vor.u32 v3, v4  }
0x62: {  	v4 =	vperm.xlane v3, v0;
	_ =	sdelay $0x1  }
0x63: {  	v4 =	vadd.s32 v1, v4;
	_ =	sdelay $0x4  }
0x64: {  	[hbm4b:s3+s2] =	stream.indirect_vreg.scatter [tilespmem:s20], [sflag:$0x1], $0x80, v4, vm0, $0xb8;
	[tilespmem:$0x8100] =	vst v63  }
0x65: {  	v3 =	vperm.xlane v3, v2  }
0x66: {  	[hbm4b:s4+s2] =	stream.indirect_vreg.scatter [tilespmem:s21], [sflag:$0x1], $0x80, v4, vm0, $0xb8;
	[tilespmem:$0x8100] =	vst v63  }
0x67: {  	v3 =	vadd.s32 v1, v3  }
0x68: {  	[hbm4b:s5+s2] =	stream.indirect_vreg.scatter [tilespmem:s22], [sflag:$0x1], $0x80, v4, vm0, $0xb8;
	[tilespmem:$0x8100] =	vst v63  }
0x69: {  	_ = 	snop  }
0x6a: {  	[hbm4b:s6+s2] =	stream.indirect_vreg.scatter [tilespmem:s23], [sflag:$0x1], $0x80, v4, vm0, $0xb8;
	[tilespmem:$0x8100] =	vst v63  }
0x6b: {  	_ = 	snop  }
0x6c: {  	[hbm4b:s3+s2] =	stream.indirect_vreg.scatter [tilespmem:s24], [sflag:$0x1], $0x80, v3, vm0, $0xb8;
	[tilespmem:$0x8100] =	vst v63  }
0x6d: {  	_ = 	snop  }
0x6e: {  	[hbm4b:s4+s2] =	stream.indirect_vreg.scatter [tilespmem:s25], [sflag:$0x1], $0x80, v3, vm0, $0xb8;
	[tilespmem:$0x8100] =	vst v63  }
0x6f: {  	_ = 	snop  }
0x70: {  	[hbm4b:s5+s2] =	stream.indirect_vreg.scatter [tilespmem:s26], [sflag:$0x1], $0x80, v3, vm0, $0xb8;
	[tilespmem:$0x8100] =	vst v63  }
0x71: {  	_ = 	snop  }
0x72: {  	[hbm4b:s6+s2] =	stream.indirect_vreg.scatter [tilespmem:s28], [sflag:$0x1], $0x80, v3, vm0, $0xb8;
	[tilespmem:$0x8100] =	vst v63  }
0x73: {  	p0 =	sne.s32 s1, $0xC;
	_ =	swait.ge [sflag:s29], $0x8000  }
.Ltmp0:
0x74: {  	[sflag:s29] =	ssyncset.done $0x0;
	(pc) =	sbr.rel @p0 .LBB2_2-.Ltmp0, $4  }
0x75: {  	[sflag:s29] =	ssyncadd.s32 $0xFFFF8000  }
0x76: {  	_ =	swait.ge [sflag:s29], $0x8000  }
0x77: {  	[sflag:s29] =	ssyncset.done $0x0  }
0x78: {  	s31 =	sadd.s32 $0x1000, s31;
	s1 =	sadd.s32 $0x4, s1;
	[sflag:s29] =	ssyncadd.s32 $0xFFFF8000  }
0x79: {  	s30 =	sadd.s32 $0x1, s30  }
0x7a: {  	p0 =	sne.s32 s30, s7  }
.Ltmp1:
0x7b: {  	_ = 	snop;
	(pc) =	sbr.rel @p0 .LBB2_1-.Ltmp1, $1  }
0x7c: {  	_ =	sdelay $0x3  }
0x7d: {  	_ =	sfence.sel $0x180000  }
0x7e: {  	[bflag:$0x0] =	sbarrier.arrive $0xFFFF  }
0x7f: {  	_ =	strace $0x90000047  }
0x80: {  	s0 =	stileid.u32;
	[bflag:$0x2] =	sbarrier.arrive $0xFFFF  }
0x81: {  	p0 =	sne.s32 s0, $0x0;
	s0 =	rddreg [dreg:$0x3]  }
0x82: {  	s0 =	sadd.s32 @!p0 $0x100000, s0  }
0x83: {  	[sflag:s0] =	ssyncadd.tile.s32 @!p0 $0x1;
	_ =	shalt  }
.Lfunc_end2:
_tile_overlayer_lowered:
.L_overlay_start_2:
0x84: {  	(tag) =	ssettag $0x2  }
0x85: {  	s0 =	rddreg [dreg:$0x0];
	s2 =	stileid.u32  }
0x86: {  	s1 =	rddreg [dreg:$0x1];
	p0 =	sne.s32 s2, $0x0  }
0x87: {  	s3 =	rddreg [dreg:$0x2];
	[bflag:$0x3] =	sbarrier.arrive $0xFFFF;
	s2 =	simm.s32 @!p0 $0x1C02  }
0x88: {  	[timem:s3], [sflag:s2] =	dma.local @!p0 [hbm:s0], s1  }
0x89: {  	s0 =	simm.s32 @!p0 $0x2  }
0x8a: {  	_ =	swait.ge @!p0 [sflag:s0], s1  }
0x8b: {  	s1 =	ssub.s32 @!p0 $0x0, s1;
	[sflag:s0] =	ssyncset.done @!p0 $0x0  }
0x8c: {  	[sflag:s0] =	ssyncadd.s32 @!p0 s1  }
0x8d: {  	[bflag:$0x3] =	sbarrier.arrive $0xFFFF  }
0x8e: {  	_ =	shalt  }

// kernel: kernel.9.cloned.1.call-start
scs
__scs_entry_jumppad:
0x0: {  	(pc) =	sbr.rel $0x88, $3  }
0x1: {  	(tag) =	ssettag $0x0;
	lr =	simm.s32 $0x1  }
0x2: {  	[smem:$0x3F9A] =	sst lr;
	_ =	strace $0xD0000000  }
0x3: {  	_ = 	snop  }
0x4: {  	_ = 	snop  }
0x5: {  	_ = 	snop  }
0x6: {  	_ = 	snop  }
0x7: {  	_ = 	snop  }
__scs_overlays_trampoline_lowered:
0x8: {  	[smem:$0x3FA9] =	sst s0  }
0x9: {  	[smem:$0x3FAA] =	sst s1  }
0xa: {  	[smem:$0x3FAB] =	sst s2  }
0xb: {  	[smem:$0x3FAC] =	sst s3  }
0xc: {  	[smem:$0x3FAD] =	sst s4  }
0xd: {  	[smem:$0x3FAE] =	sst s5  }
0xe: {  	[smem:$0x3FAF] =	sst s6  }
0xf: {  	[smem:$0x3FB0] =	sst s7  }
0x10: {  	[smem:$0x3FB1] =	sst s8  }
0x11: {  	[smem:$0x3FB2] =	sst s9;
	s0 =	simm.s32 @!p0 $0x0  }
0x12: {  	s1 =	sld [smem:$0x3F98];
	s0 =	simm.s32 @p0 $0x1  }
0x13: {  	[smem:$0x3FB3] =	sst s0;
	s0 =	simm.s32 @!p1 $0x0  }
0x14: {  	s2 =	sld [smem:$0x3F97];
	s0 =	simm.s32 @p1 $0x1  }
0x15: {  	[smem:$0x3FB4] =	sst s0;
	s0 =	simm.s32 @!p2 $0x0  }
0x16: {  	s3 =	sld [smem:$0x3FDB];
	s0 =	simm.s32 @p2 $0x1  }
0x17: {  	s4 =	simm.s32 $0x1BF5;
	[smem:$0x3FB6] =	sst s0  }
0x18: {  	s0 =	sld [smem:$0x3F99];
	_ =	swait.ge [sflag:s4], $0x0  }
0x19: {  	s7 =	sld [smem:$0x3F9A]  }
0x1a: {  	s8 =	sadd.s32 $0xFFFFE003, lr  }
0x1b: {  	s9 =	sadd.s32 $0xFFFFFEF7, lr;
	s5 =	simm.s32 $0xFFFFFFFF;
	p2 =	slt.u32 s8, $0xFFFFF086  }
0x1c: {  	p1 =	slt.u32 s9, $0xF7A;
	s5 =	simm.s32 @!p2 $0x0  }
0x1d: {  	s5 =	simm.s32 @p1 $0x1;
	p0 =	seq.s32 s7, s2  }
0x1e: {  	s7 =	smul.u32 @!p0 $0xF7A, s2;
	p2 =	seq.s32 @!p0 s5, $0x0  }
0x1f: {  	s9 =	smul.u32 $0xF7A, s1;
	s8 =	simm.s32 @!p0 $0x1BF5;
	p2 =	por !p2, p0  }
0x20: {  	[sflag:s8] =	ssyncset.s32 @!p0 $0xFFFFF086;
	s6 =	sadd.s32 @!p0 s3, s7;
	s7 =	simm.s32 @!p0 $0x108  }
0x21: {  	s3 =	sadd.s32 s3, s9;
	s6 =	sadd.s32 @!p0 $0x88, s6;
	s7 =	simm.s32 @p2 $0x1082  }
0x22: {  	[simem:s7], [sflag:s8] =	dma.local @!p0 [hbm:s6], $0xF7A  }
0x23: {  	s9 =	sor.u32 $0xD0000000, s2;
	s6 =	simm.s32 $0x108;
	_ =	swait.ge @!p0 [sflag:s8], $0x0  }
0x24: {  	s3 =	sadd.s32 $0x88, s3;
	s6 =	simm.s32 @!p1 $0x1082;
	[sflag:s4] =	ssyncset.s32 $0xFFFFF086  }
0x25: {  	[simem:s6], [sflag:s4] =	dma.local [hbm:s3], $0xF7A  }
0x26: {  	[smem:$0x3F9A] =	sst s1;
	(tag) =	ssettag s2;
	_ =	strace s9  }
0x27: {  	s1 =	sld [smem:$0x3FAA]  }
0x28: {  	s2 =	sld [smem:$0x3FAB]  }
0x29: {  	s4 =	sld [smem:$0x3FAD]  }
0x2a: {  	p0 =	seq.s32 s5, $0x0;
	s5 =	sld [smem:$0x3FAE]  }
0x2b: {  	s6 =	sld [smem:$0x3FAF]  }
0x2c: {  	s7 =	sld [smem:$0x3FB0]  }
0x2d: {  	s3 =	simm.s32 $0x108;
	s8 =	sld [smem:$0x3FB1]  }
0x2e: {  	s3 =	simm.s32 @!p0 $0x1082;
	s9 =	sld [smem:$0x3FB2]  }
0x2f: {  	lr =	sadd.s32 s0, s3;
	s0 =	sld [smem:$0x3FA9]  }
0x30: {  	s3 =	sld [smem:$0x3FAC]  }
0x31: {  	[smem:$0x3FB5] =	sst s10  }
0x32: {  	s10 =	sld [smem:$0x3FB3];
	_ =	sdelay $0x3  }
0x33: {  	p0 =	seq.s32 s10, $0x1;
	s10 =	sld [smem:$0x3FB5];
	_ =	sdelay $0x3  }
0x34: {  	[smem:$0x3FB5] =	sst s10  }
0x35: {  	s10 =	sld [smem:$0x3FB4];
	_ =	sdelay $0x3  }
0x36: {  	p1 =	seq.s32 s10, $0x1;
	s10 =	sld [smem:$0x3FB5];
	_ =	sdelay $0x3  }
0x37: {  	[smem:$0x3FB5] =	sst s10  }
0x38: {  	s10 =	sld [smem:$0x3FB6]  }
0x39: {  	_ = 	snop;
	(pc) =	sbr.ind lr, $3  }
0x3a: {  	_ = 	snop  }
0x3b: {  	_ = 	snop  }
0x3c: {  	p2 =	seq.s32 s10, $0x1;
	s10 =	sld [smem:$0x3FB5]  }
0x3d: {  	_ =	shalt  }
0x3e: {  	_ =	shalt  }
0x3f: {  	_ =	shalt  }
0x40: {  	_ =	shalt  }
0x41: {  	_ =	shalt  }
0x42: {  	_ =	shalt  }
0x43: {  	_ =	shalt  }
0x44: {  	_ =	shalt  }
0x45: {  	_ =	shalt  }
0x46: {  	_ =	shalt  }
0x47: {  	_ =	shalt  }
0x48: {  	_ =	shalt  }
0x49: {  	_ =	shalt  }
0x4a: {  	_ =	shalt  }
0x4b: {  	_ =	shalt  }
0x4c: {  	_ =	shalt  }
0x4d: {  	_ =	shalt  }
0x4e: {  	_ =	shalt  }
0x4f: {  	_ =	shalt  }
0x50: {  	_ =	shalt  }
0x51: {  	_ =	shalt  }
0x52: {  	_ =	shalt  }
0x53: {  	_ =	shalt  }
0x54: {  	_ =	shalt  }
0x55: {  	_ =	shalt  }
0x56: {  	_ =	shalt  }
0x57: {  	_ =	shalt  }
0x58: {  	_ =	shalt  }
0x59: {  	_ =	shalt  }
0x5a: {  	_ =	shalt  }
0x5b: {  	_ =	shalt  }
0x5c: {  	_ =	shalt  }
0x5d: {  	_ =	shalt  }
0x5e: {  	_ =	shalt  }
0x5f: {  	_ =	shalt  }
0x60: {  	_ =	shalt  }
0x61: {  	_ =	shalt  }
0x62: {  	_ =	shalt  }
0x63: {  	_ =	shalt  }
0x64: {  	_ =	shalt  }
0x65: {  	_ =	shalt  }
0x66: {  	_ =	shalt  }
0x67: {  	_ =	shalt  }
0x68: {  	_ =	shalt  }
0x69: {  	_ =	shalt  }
0x6a: {  	_ =	shalt  }
0x6b: {  	_ =	shalt  }
0x6c: {  	_ =	shalt  }
0x6d: {  	_ =	shalt  }
0x6e: {  	_ =	shalt  }
0x6f: {  	_ =	shalt  }
0x70: {  	_ =	shalt  }
0x71: {  	_ =	shalt  }
0x72: {  	_ =	shalt  }
0x73: {  	_ =	shalt  }
0x74: {  	_ =	shalt  }
0x75: {  	_ =	shalt  }
0x76: {  	_ =	shalt  }
0x77: {  	_ =	shalt  }
0x78: {  	_ =	shalt  }
0x79: {  	_ =	shalt  }
0x7a: {  	_ =	shalt  }
0x7b: {  	_ =	shalt  }
0x7c: {  	_ =	shalt  }
0x7d: {  	_ =	shalt  }
0x7e: {  	_ =	shalt  }
0x7f: {  	_ =	shalt  }
0x80: {  	_ =	shalt  }
0x81: {  	_ =	shalt  }
0x82: {  	_ =	shalt  }
0x83: {  	_ =	shalt  }
0x84: {  	_ =	shalt  }
0x85: {  	_ =	shalt  }
0x86: {  	_ =	shalt  }
0x87: {  	_ =	shalt  }
.Lfunc_end0:
.L_simem_size_0:
called_computation.1_lowered:
.L_overlay_start_0:
0x88: {  	s2 =	sld [smem:$0x3FD9]  }
0x89: {  	s3 =	sld [smem:$0x3FFE];
	_ =	sdelay $0x1  }
0x8a: {  	s1 =	srdreg.scid  }
0x8b: {  	s0 =	sand.u32 $0x1, s1  }
0x8c: {  	s14 =	sshll.u32 s0, $0xA;
	s2 =	sadd.s32 s3, s2  }
0x8d: {  	s2 =	sadd.s32 s2, s14  }
0x8e: {  	[smem:$0x3FC1] =	sst s2  }
0x8f: {  	_ = 	snop  }
0x90: {  	s2 =	sld [smem:$0x3FD0];
	_ =	sdelay $0x2  }
0x91: {  	s15 =	simm.s32 $0xA;
	s4 =	simm.s32 $0x10  }
0x92: {  	[smem:s4], [sflag:s15] =	dma.local [hbm:s2], $0x1  }
0x93: {  	_ =	swait.eq [sflag:s15], $0x1  }
0x94: {  	[sflag:s15] =	ssyncset.done $0x0  }
0x95: {  	[sflag:s15] =	ssyncadd.s32 $0xFFFFFFFF  }
0x96: {  	s16 =	sld [smem:$0x10];
	(tm) =	ssettm $0x1  }
0x97: {  	s17 =	sld [smem:$0x3FFB];
	_ =	sdelay $0x3  }
0x98: {  	_ =	strace s17  }
0x99: {  	s3 =	sld [smem:$0x3FFC];
	_ =	sdelay $0x3  }
0x9a: {  	_ =	strace s3  }
0x9b: {  	s3 =	sld [smem:$0x3FFD];
	_ =	sdelay $0x3  }
0x9c: {  	_ =	strace s3  }
0x9d: {  	_ =	strace $0x8FFFFFFF  }
0x9e: {  	s18 =	sld [smem:$0x3FDB];
	_ =	sdelay $0x1  }
0x9f: {  	s19 =	simm.s32 $_scs_section_size  }
0xa0: {  	s5 =	simm.s32 $_size__tile_overlayer_lowered;
	s6 =	simm.s32 $_tile_overlayer_lowered  }
0xa1: {  	s22 =	simm.s32 $0x1BFF;
	s21 =	sshll.u32 s6, $0x1;
	s3 =	sadd.s32 s19, s18  }
0xa2: {  	s7 =	simm.s32 $0x0;
	s20 =	sshll.u32 s5, $0x1;
	s5 =	sadd.s32 s21, s3  }
0xa3: {  	[timem:s7], [sflag:s22] =	dma.local [hbm:s5], s20  }
0xa4: {  	_ =	swait.ge [sflag:s22], s20  }
0xa5: {  	s4 =	ssub.s32 $0x0, s20;
	[sflag:s22] =	ssyncset.done $0x0  }
0xa6: {  	[sflag:s22] =	ssyncadd.s32 s4;
	_ =	sdelay $0x1  }
0xa7: {  	s23 =	simm.s32 $0x1B8B  }
0xa8: {  	_ =	swait.ge [sflag:s23], $0x1  }
0xa9: {  	[sflag:s23] =	ssyncset.done $0x0  }
0xaa: {  	s25 =	simm.s32 $0x1B8E;
	s24 =	sld [smem:$0x3FFE];
	[sflag:s23] =	ssyncadd.s32 $0xFFFFFFFF  }
0xab: {  	s26 =	simm.s32 $execute0_lowered;
	[smem:$0x3FD2] =	sst s25  }
0xac: {  	s5 =	sshll.u32 s26, $0x1;
	_ =	strace $0x80000049;
	[dreg:$0x1] =	wrdreg $0xFFFFFFFF  }
0xad: {  	s28 =	simm.s32 $_size_execute0_lowered;
	s3 =	sadd.s32 s3, s5;
	[dreg:$0x0] =	wrdreg $0x0  }
0xae: {  	s5 =	sshll.u32 s28, $0x1;
	[dreg:$0x2] =	wrdreg s3  }
0xaf: {  	[dreg:$0x3] =	wrdreg s5  }
0xb0: {  	[dreg:$0x4] =	wrdreg $0xC0  }
0xb1: {  	_ =	task [dreg:s7], $0x5FFFF  }
0xb2: {  	[dreg:$0x1] =	wrdreg $0xFFFFFFFF  }
0xb3: {  	[dreg:$0x0] =	wrdreg $0x60  }
0xb4: {  	[dreg:$0x2] =	wrdreg s24  }
0xb5: {  	[dreg:$0x3] =	wrdreg s16  }
0xb6: {  	[dreg:$0x4] =	wrdreg $0x9  }
0xb7: {  	_ =	task.clear_ibuf [dreg:s7], $0x5FFFF;
	_ =	strace $0x90000049  }
0xb8: {  	s29 =	simm.s32 $0x9;
	_ =	strace $0x8000004B  }
0xb9: {  	_ =	swait.ge [sflag:s29], $0x1  }
0xba: {  	[sflag:s29] =	ssyncadd.s32 $0xFFFFFFFF  }
0xbb: {  	_ =	strace $0x9000004B  }
0xbc: {  	_ =	sfence  }
0xbd: {  	s30 =	sld [smem:$0x0];
	_ =	sdelay $0x2  }
0xbe: {  	s31 =	sshll.u32 s1, $0xD;
	s1 =	sshrl.u32 s1, $0x2  }
0xbf: {  	s3 =	sand.u32 $0x4000, s31;
	s1 =	sadd.s32 s1, s30  }
0xc0: {  	s0 =	sor.u32 s3, s0;
	s1 =	sshll.u32 s1, $0x11  }
0xc1: {  	s0 =	sor.u32 s1, s0  }
0xc2: {  	s0 =	sadd.s32 $0x8F2B, s0  }
0xc3: {  	[sflag:s0] =	ssyncadd.remote.s32 $0x1  }
0xc4: {  	_ =	sfence.sel $0xFFFF  }
0xc5: {  	[dreg:$0x0] =	wrdreg $0xFFFFFFFF;
	(pc) =	sbr.abs _section_cstart, $3  }
0xc6: {  	[dreg:$0x1] =	wrdreg $0xFFFFFFFF  }
0xc7: {  	_ =	task.clear_ibuf [dreg:s7], $0x2FFFF;
	_ =	strace $0x9FFFFFFF  }
0xc8: {  	(tm) =	ssettm $0x7FFFFFFF  }
0xc9: {  	_ =	shalt  }
tec
execute0_lowered:
.L_overlay_start_1:
0x0: {  	(tag) =	ssettag $0x1  }
0x1: {  	s4 =	rddreg [dreg:$0x0]  }
0x2: {  	s5 =	rddreg [dreg:$0x1]  }
0x3: {  	s0 =	rddreg [dreg:$0x2];
	s2 =	simm.s32 $0x0;
	s3 =	srdreg.scid  }
0x4: {  	s1 =	stileid.u32;
	s12 =	simm.s32 $0xC080;
	s13 =	simm.s32 $0xC100  }
0x5: {  	s14 =	simm.s32 $0x10100;
	s15 =	simm.s32 $0x80;
	s16 =	simm.s32 $0x4000  }
0x6: {  	s17 =	simm.s32 $0x1;
	s18 =	simm.s32 $0x8000;
	s6 =	sand.u32 $0x1, s3  }
0x7: {  	[smem:$0x7FF] =	sst s2;
	s7 =	sshll.u32 s1, $0x8;
	s8 =	sshll.u32 s6, $0x7  }
0x8: {  	s3 =	sadd.s32 $0x21000, s4;
	s6 =	ssub.s32 $0x2, s6;
	s7 =	sor.u32 s8, s7  }
0x9: {  	_ =	strace $0x8000004A;
	s9 =	sshrl.u32 s6, $0x1;
	s8 =	sshrl.u32 s7, $0x3  }
0xa: {  	s7 =	sshll.u32 s7, $0x4;
	s9 =	ssub.s32 s6, s9;
	s10 =	sadd.s32 s8, s4  }
0xb: {  	s11 =	sadd.s32 s7, s4;
	s5 =	sadd.s32 s5, s8;
	s9 =	smax.u32 s9, $0x1  }
0xc: {  	s4 =	sadd.s32 $0x20E00, s10;
	s6 =	sadd.s32 $0xE00, s11;
	s7 =	sadd.s32 $0x10E00, s11  }
0xd: {  	s8 =	sadd.s32 $0x45000, s11;
	s10 =	simm.s32 $0xC000;
	s11 =	simm.s32 $0x2  }
.LBB2_1:
0xe: {  	[tilespmem:s10], [sflag:$0x2] =	stream.linear.gather [hbm4b:s4+s2], $0x80, $0x38;
	[tilespmem:$0x14100] =	vst v63  }
0xf: {  	_ =	swait.ge [sflag:s11], $0x80  }
0x10: {  	[sflag:s11] =	ssyncset.done $0x0  }
0x11: {  	[sflag:s11] =	ssyncadd.s32 $0xFFFFFF80  }
0x12: {  	[tilespmem:s12], [sflag:$0x2] =	stream.linear.gather [hbm4b:s5+s2], $0x80, $0x38;
	[tilespmem:$0x14100] =	vst v63  }
0x13: {  	_ =	swait.ge [sflag:s11], $0x80  }
0x14: {  	[sflag:s11] =	ssyncset.done $0x0  }
0x15: {  	[sflag:s11] =	ssyncadd.s32 $0xFFFFFF80  }
0x16: {  	[tilespmem:s13], [sflag:$0x2] =	stream.linear.gather [hbm4b:s6+s2], $0x4000, $0x38;
	[tilespmem:$0x14100] =	vst v63  }
0x17: {  	_ =	swait.ge [sflag:s11], $0x4000  }
0x18: {  	[sflag:s11] =	ssyncset.done $0x0  }
0x19: {  	[sflag:s11] =	ssyncadd.s32 $0xFFFFC000  }
0x1a: {  	[tilespmem:s14], [sflag:$0x2] =	stream.linear.gather [hbm4b:s7+s2], $0x4000, $0x38;
	[tilespmem:$0x14100] =	vst v63  }
0x1b: {  	_ =	swait.ge [sflag:s11], $0x4000  }
0x1c: {  	[sflag:s11] =	ssyncset.done $0x0  }
0x1d: {  	[sflag:s11] =	ssyncadd.s32 $0xFFFFC000  }
0x1e: {  	[tilespmem:s2], [sflag:$0x1] =	stream.indirect.gather [hbm4b:s3+s15], $0x80, s10, s15, $0xb8;
	[tilespmem:$0x14100] =	vst v63  }
0x1f: {  	_ = 	snop  }
0x20: {  	[tilespmem:s16], [sflag:$0x1] =	stream.indirect.gather [hbm4b:s3+s15], $0x80, s12, s15, $0xb8;
	[tilespmem:$0x14100] =	vst v63  }
0x21: {  	_ =	swait.ge [sflag:s17], $0x4000  }
0x22: {  	[sflag:s17] =	ssyncset.done $0x0  }
0x23: {  	[sflag:s17] =	ssyncadd.s32 $0xFFFFC000  }
0x24: {  	_ =	swait.ge [sflag:s17], $0x4000  }
0x25: {  	[sflag:s17] =	ssyncset.done $0x0  }
0x26: {  	[sflag:s17] =	ssyncadd.s32 $0xFFFFC000  }
0x27: {  	v0 =	vld [tilespmem:$0xC100]  }
0x28: {  	v24 =	vld [tilespmem:$0xC180]  }
0x29: {  	v25 =	vld [tilespmem:$0xC200]  }
0x2a: {  	v26 =	vld [tilespmem:$0xC280]  }
0x2b: {  	v27 =	vld [tilespmem:$0xC300]  }
0x2c: {  	v28 =	vld [tilespmem:$0xC380]  }
0x2d: {  	v29 =	vld [tilespmem:$0xC400]  }
0x2e: {  	v30 =	vld [tilespmem:$0xC480]  }
0x2f: {  	v31 =	vld [tilespmem:$0xC500]  }
0x30: {  	v32 =	vld [tilespmem:$0xC580]  }
0x31: {  	v33 =	vld [tilespmem:$0xC600]  }
0x32: {  	v34 =	vld [tilespmem:$0xC680]  }
0x33: {  	v35 =	vld [tilespmem:$0xC700]  }
0x34: {  	v36 =	vld [tilespmem:$0xC780];
	[tilespmem:$0x1EBA0] =	vst v0  }
0x35: {  	v37 =	vld [tilespmem:$0xC800];
	[tilespmem:$0x1EBB0] =	vst v24  }
0x36: {  	v38 =	vld [tilespmem:$0xC880];
	[tilespmem:$0x1EBC0] =	vst v25  }
0x37: {  	v39 =	vld [tilespmem:$0xC900];
	[tilespmem:$0x1EBD0] =	vst v26  }
0x38: {  	v40 =	vld [tilespmem:$0xC980];
	[tilespmem:$0x1EBE0] =	vst v27  }
0x39: {  	v41 =	vld [tilespmem:$0xCA00];
	[tilespmem:$0x1EBF0] =	vst v28  }
0x3a: {  	v42 =	vld [tilespmem:$0xCA80];
	[tilespmem:$0x1EC00] =	vst v29  }
0x3b: {  	v43 =	vld [tilespmem:$0xCB00];
	[tilespmem:$0x1EC10] =	vst v30  }
0x3c: {  	v44 =	vld [tilespmem:$0xCB80];
	[tilespmem:$0x1EC20] =	vst v31  }
0x3d: {  	v45 =	vld [tilespmem:$0xCC00];
	[tilespmem:$0x1EC30] =	vst v32  }
0x3e: {  	v46 =	vld [tilespmem:$0xCC80];
	[tilespmem:$0x1EC40] =	vst v33  }
0x3f: {  	v47 =	vld [tilespmem:$0xCD00];
	[tilespmem:$0x1EC50] =	vst v34  }
0x40: {  	v48 =	vld [tilespmem:$0xCD80];
	[tilespmem:$0x1EC60] =	vst v35  }
0x41: {  	v49 =	vld [tilespmem:$0xCE00];
	[tilespmem:$0x1EC70] =	vst v36  }
0x42: {  	v50 =	vld [tilespmem:$0xCE80];
	[tilespmem:$0x1EC90] =	vst v37  }
0x43: {  	v51 =	vld [tilespmem:$0xCF00];
	[tilespmem:$0x1ECB0] =	vst v38  }
0x44: {  	v52 =	vld [tilespmem:$0xCF80];
	[tilespmem:$0x1ECD0] =	vst v39  }
0x45: {  	v53 =	vld [tilespmem:$0xD000];
	[tilespmem:$0x1ECF0] =	vst v40  }
0x46: {  	v54 =	vld [tilespmem:$0xD080];
	[tilespmem:$0x1ED10] =	vst v41  }
0x47: {  	v55 =	vld [tilespmem:$0xD100];
	[tilespmem:$0x1ED30] =	vst v42  }
0x48: {  	v56 =	vld [tilespmem:$0xD180];
	[tilespmem:$0x1ED50] =	vst v43  }
0x49: {  	v57 =	vld [tilespmem:$0xD200];
	[tilespmem:$0x1ED70] =	vst v44  }
0x4a: {  	v58 =	vld [tilespmem:$0xD280];
	[tilespmem:$0x1ED90] =	vst v45  }
0x4b: {  	v59 =	vld [tilespmem:$0xD300];
	[tilespmem:$0x1EDB0] =	vst v46  }
0x4c: {  	v60 =	vld [tilespmem:$0xD380];
	[tilespmem:$0x1EDD0] =	vst v47  }
0x4d: {  	v61 =	vld [tilespmem:$0xD400];
	[tilespmem:$0x1EDF0] =	vst v48  }
0x4e: {  	v62 =	vld [tilespmem:$0xD480];
	[tilespmem:$0x1EE10] =	vst v49  }
0x4f: {  	v63 =	vld [tilespmem:$0xD500];
	[tilespmem:$0x1EE30] =	vst v50  }
0x50: {  	v4 =	vld [tilespmem:$0xD580];
	[tilespmem:$0x1EE50] =	vst v51  }
0x51: {  	v5 =	vld [tilespmem:$0xD600];
	[tilespmem:$0x1EE70] =	vst v52  }
0x52: {  	v6 =	vld [tilespmem:$0xD680];
	[tilespmem:$0x1EE90] =	vst v53  }
0x53: {  	v7 =	vld [tilespmem:$0xD700];
	[tilespmem:$0x1EEB0] =	vst v54  }
0x54: {  	v8 =	vld [tilespmem:$0xD780];
	[tilespmem:$0x1EED0] =	vst v55  }
0x55: {  	v9 =	vld [tilespmem:$0xD800];
	[tilespmem:$0x1EEF0] =	vst v56  }
0x56: {  	v10 =	vld [tilespmem:$0xD880];
	[tilespmem:$0x1EF10] =	vst v57  }
0x57: {  	v11 =	vld [tilespmem:$0xD900];
	[tilespmem:$0x1EF30] =	vst v58  }
0x58: {  	v12 =	vld [tilespmem:$0xD980];
	[tilespmem:$0x1EF50] =	vst v59  }
0x59: {  	v13 =	vld [tilespmem:$0xDA00];
	[tilespmem:$0x1EF70] =	vst v60  }
0x5a: {  	v14 =	vld [tilespmem:$0xDA80];
	[tilespmem:$0x1EF90] =	vst v61  }
0x5b: {  	v15 =	vld [tilespmem:$0xDB00];
	[tilespmem:$0x1EFB0] =	vst v62  }
0x5c: {  	v16 =	vld [tilespmem:$0xDB80];
	[tilespmem:$0x1EFD0] =	vst v63  }
0x5d: {  	v17 =	vld [tilespmem:$0xDC00];
	[tilespmem:$0x1EFF0] =	vst v4  }
0x5e: {  	v18 =	vld [tilespmem:$0xDC80];
	[tilespmem:$0x1F010] =	vst v5  }
0x5f: {  	v19 =	vld [tilespmem:$0xDD00];
	[tilespmem:$0x1F030] =	vst v6  }
0x60: {  	v20 =	vld [tilespmem:$0xDD80];
	[tilespmem:$0x1F050] =	vst v7  }
0x61: {  	v21 =	vld [tilespmem:$0xDE00];
	[tilespmem:$0x1F070] =	vst v8  }
0x62: {  	v22 =	vld [tilespmem:$0xDE80];
	[tilespmem:$0x1F0A0] =	vst v9  }
0x63: {  	v23 =	vld [tilespmem:$0xDF00];
	[tilespmem:$0x1F0D0] =	vst v10  }
0x64: {  	[tilespmem:$0x1F100] =	vst v11;
	v24 =	vld [tilespmem:$0xDF80]  }
0x65: {  	[tilespmem:$0x1F130] =	vst v12;
	v25 =	vld [tilespmem:$0xE000]  }
0x66: {  	[tilespmem:$0x1F160] =	vst v13;
	v26 =	vld [tilespmem:$0xE080]  }
0x67: {  	[tilespmem:$0x1F190] =	vst v14;
	v27 =	vld [tilespmem:$0xE100]  }
0x68: {  	[tilespmem:$0x1F1C0] =	vst v15;
	v28 =	vld [tilespmem:$0xE180]  }
0x69: {  	[tilespmem:$0x1F1F0] =	vst v16;
	v29 =	vld [tilespmem:$0xE200]  }
0x6a: {  	[tilespmem:$0x1F220] =	vst v17;
	v30 =	vld [tilespmem:$0xE280]  }
0x6b: {  	[tilespmem:$0x1F250] =	vst v18;
	v31 =	vld [tilespmem:$0xE300]  }
0x6c: {  	[tilespmem:$0x1F280] =	vst v19;
	v32 =	vld [tilespmem:$0xE380]  }
0x6d: {  	[tilespmem:$0x1F2B0] =	vst v20;
	v33 =	vld [tilespmem:$0xE400]  }
0x6e: {  	[tilespmem:$0x1F2E0] =	vst v21;
	v34 =	vld [tilespmem:$0xE480]  }
0x6f: {  	[tilespmem:$0x1F310] =	vst v22;
	v35 =	vld [tilespmem:$0xE500]  }
0x70: {  	[tilespmem:$0x1F340] =	vst v23;
	v36 =	vld [tilespmem:$0xE580]  }
0x71: {  	v37 =	vld [tilespmem:$0xE600];
	[tilespmem:$0x1F370] =	vst v24  }
0x72: {  	v38 =	vld [tilespmem:$0xE680];
	[tilespmem:$0x1F3A0] =	vst v25  }
0x73: {  	v39 =	vld [tilespmem:$0xE700];
	[tilespmem:$0x1F3D0] =	vst v26  }
0x74: {  	v40 =	vld [tilespmem:$0xE780];
	[tilespmem:$0x1F400] =	vst v27  }
0x75: {  	v41 =	vld [tilespmem:$0xE800];
	[tilespmem:$0x1F430] =	vst v28  }
0x76: {  	v42 =	vld [tilespmem:$0xE880];
	[tilespmem:$0x1F460] =	vst v29  }
0x77: {  	v43 =	vld [tilespmem:$0xE900];
	[tilespmem:$0x1F490] =	vst v30  }
0x78: {  	v44 =	vld [tilespmem:$0xE980];
	[tilespmem:$0x1F4C0] =	vst v31  }
0x79: {  	v45 =	vld [tilespmem:$0xEA00];
	[tilespmem:$0x1F4F0] =	vst v32  }
0x7a: {  	v46 =	vld [tilespmem:$0xEA80];
	[tilespmem:$0x1F520] =	vst v33  }
0x7b: {  	v47 =	vld [tilespmem:$0xEB00];
	[tilespmem:$0x1F550] =	vst v34  }
0x7c: {  	v48 =	vld [tilespmem:$0xEB80];
	[tilespmem:$0x1F580] =	vst v35  }
0x7d: {  	v49 =	vld [tilespmem:$0xEC00];
	[tilespmem:$0x1F5B0] =	vst v36  }
0x7e: {  	v50 =	vld [tilespmem:$0xEC80];
	[tilespmem:$0x1F5E0] =	vst v37  }
0x7f: {  	v51 =	vld [tilespmem:$0xED00];
	[tilespmem:$0x1F610] =	vst v38  }
0x80: {  	v52 =	vld [tilespmem:$0xED80];
	[tilespmem:$0x1F640] =	vst v39  }
0x81: {  	v53 =	vld [tilespmem:$0xEE00];
	[tilespmem:$0x1F670] =	vst v40  }
0x82: {  	v54 =	vld [tilespmem:$0xEE80];
	[tilespmem:$0x1F6A0] =	vst v41  }
0x83: {  	v55 =	vld [tilespmem:$0xEF00];
	[tilespmem:$0x1F6D0] =	vst v42  }
0x84: {  	v56 =	vld [tilespmem:$0xEF80];
	[tilespmem:$0x1F700] =	vst v43  }
0x85: {  	v57 =	vld [tilespmem:$0xF000];
	[tilespmem:$0x1F730] =	vst v44  }
0x86: {  	v58 =	vld [tilespmem:$0xF080];
	[tilespmem:$0x1F760] =	vst v45  }
0x87: {  	v59 =	vld [tilespmem:$0xF100];
	[tilespmem:$0x1F790] =	vst v46  }
0x88: {  	v60 =	vld [tilespmem:$0xF180];
	[tilespmem:$0x1F7C0] =	vst v47  }
0x89: {  	v61 =	vld [tilespmem:$0xF200];
	[tilespmem:$0x1F7F0] =	vst v48  }
0x8a: {  	v62 =	vld [tilespmem:$0xF280];
	[tilespmem:$0x1F820] =	vst v49  }
0x8b: {  	v63 =	vld [tilespmem:$0xF300];
	[tilespmem:$0x1F850] =	vst v50  }
0x8c: {  	v4 =	vld [tilespmem:$0xF380];
	[tilespmem:$0x1F880] =	vst v51  }
0x8d: {  	v5 =	vld [tilespmem:$0xF400];
	[tilespmem:$0x1F8B0] =	vst v52  }
0x8e: {  	v6 =	vld [tilespmem:$0xF480];
	[tilespmem:$0x1F8E0] =	vst v53  }
0x8f: {  	v7 =	vld [tilespmem:$0xF500];
	[tilespmem:$0x1F910] =	vst v54  }
0x90: {  	v8 =	vld [tilespmem:$0xF580];
	[tilespmem:$0x1F940] =	vst v55  }
0x91: {  	v9 =	vld [tilespmem:$0xF600];
	[tilespmem:$0x1F970] =	vst v56  }
0x92: {  	v10 =	vld [tilespmem:$0xF680];
	[tilespmem:$0x1F9A0] =	vst v57  }
0x93: {  	v11 =	vld [tilespmem:$0xF700];
	[tilespmem:$0x1F9D0] =	vst v58  }
0x94: {  	v12 =	vld [tilespmem:$0xF780];
	[tilespmem:$0x1FA00] =	vst v59  }
0x95: {  	v13 =	vld [tilespmem:$0xF800];
	[tilespmem:$0x1FA30] =	vst v60  }
0x96: {  	v14 =	vld [tilespmem:$0xF880];
	[tilespmem:$0x1FA60] =	vst v61  }
0x97: {  	v15 =	vld [tilespmem:$0xF900];
	[tilespmem:$0x1FA90] =	vst v62  }
0x98: {  	v16 =	vld [tilespmem:$0xF980];
	[tilespmem:$0x1FAC0] =	vst v63  }
0x99: {  	v17 =	vld [tilespmem:$0xFA00];
	[tilespmem:$0x1FAF0] =	vst v4  }
0x9a: {  	v18 =	vld [tilespmem:$0xFA80];
	[tilespmem:$0x1FB20] =	vst v5  }
0x9b: {  	v19 =	vld [tilespmem:$0xFB00];
	[tilespmem:$0x1FB50] =	vst v6  }
0x9c: {  	v20 =	vld [tilespmem:$0xFB80];
	[tilespmem:$0x1FB80] =	vst v7  }
0x9d: {  	v21 =	vld [tilespmem:$0xFC00];
	[tilespmem:$0x1FBB0] =	vst v8  }
0x9e: {  	v22 =	vld [tilespmem:$0xFC80];
	[tilespmem:$0x1FBE0] =	vst v9  }
0x9f: {  	v23 =	vld [tilespmem:$0xFD00];
	[tilespmem:$0x1FC10] =	vst v10  }
0xa0: {  	[tilespmem:$0x1FC40] =	vst v11;
	v24 =	vld [tilespmem:$0xFD80]  }
0xa1: {  	[tilespmem:$0x1FC70] =	vst v12;
	v25 =	vld [tilespmem:$0xFE00]  }
0xa2: {  	[tilespmem:$0x1FCA0] =	vst v13;
	v26 =	vld [tilespmem:$0xFE80]  }
0xa3: {  	[tilespmem:$0x1FCD0] =	vst v14;
	v27 =	vld [tilespmem:$0xFF00]  }
0xa4: {  	[tilespmem:$0x1FD00] =	vst v15;
	v28 =	vld [tilespmem:$0xFF80]  }
0xa5: {  	[tilespmem:$0x1FD30] =	vst v16;
	v29 =	vld [tilespmem:$0x10000]  }
0xa6: {  	[tilespmem:$0x1FD60] =	vst v17;
	v30 =	vld [tilespmem:$0x10080]  }
0xa7: {  	[tilespmem:$0x1FD90] =	vst v18;
	v39 =	vld [tilespmem:$0x0]  }
0xa8: {  	[tilespmem:$0x1FDC0] =	vst v19;
	v40 =	vld [tilespmem:$0x80]  }
0xa9: {  	[tilespmem:$0x1FDF0] =	vst v20;
	v42 =	vld [tilespmem:$0x100]  }
0xaa: {  	[tilespmem:$0x1FE20] =	vst v21;
	v44 =	vld [tilespmem:$0x180]  }
0xab: {  	[tilespmem:$0x1FE50] =	vst v22;
	v45 =	vld [tilespmem:$0x200]  }
0xac: {  	[tilespmem:$0x1FE80] =	vst v23;
	v47 =	vld [tilespmem:$0x280]  }
0xad: {  	v49 =	vld [tilespmem:$0x300];
	[tilespmem:$0x1FEB0] =	vst v24  }
0xae: {  	v51 =	vld [tilespmem:$0x380];
	[tilespmem:$0x1FEE0] =	vst v25  }
0xaf: {  	v31 =	vld [tilespmem:$0x680];
	[tilespmem:$0x1FF10] =	vst v26  }
0xb0: {  	v32 =	vld [tilespmem:$0x700];
	[tilespmem:$0x1FF40] =	vst v27  }
0xb1: {  	v33 =	vld [tilespmem:$0x780];
	[tilespmem:$0x1FF70] =	vst v28  }
0xb2: {  	v34 =	vld [tilespmem:$0x800];
	[tilespmem:$0x1FFA0] =	vst v29  }
0xb3: {  	v35 =	vld [tilespmem:$0x880];
	[tilespmem:$0x1FFD0] =	vst v30  }
0xb4: {  	v36 =	vld [tilespmem:$0x900];
	[tilespmem:$0x1EC80] =	vst v31  }
0xb5: {  	v37 =	vld [tilespmem:$0x980];
	[tilespmem:$0x1ECA0] =	vst v32  }
0xb6: {  	v38 =	vld [tilespmem:$0xA00];
	[tilespmem:$0x1ECC0] =	vst v33  }
0xb7: {  	v41 =	vld [tilespmem:$0xA80];
	[tilespmem:$0x1ECE0] =	vst v34  }
0xb8: {  	v43 =	vld [tilespmem:$0xB00];
	[tilespmem:$0x1ED00] =	vst v35  }
0xb9: {  	v46 =	vld [tilespmem:$0xB80];
	[tilespmem:$0x1ED20] =	vst v36  }
0xba: {  	v48 =	vld [tilespmem:$0xC00];
	[tilespmem:$0x1ED40] =	vst v37  }
0xbb: {  	v50 =	vld [tilespmem:$0xC80];
	[tilespmem:$0x1ED60] =	vst v38  }
0xbc: {  	v53 =	vld [tilespmem:$0x400];
	[tilespmem:$0x1ED80] =	vst v41  }
0xbd: {  	v55 =	vld [tilespmem:$0x480];
	[tilespmem:$0x1EDA0] =	vst v43  }
0xbe: {  	v57 =	vld [tilespmem:$0x500];
	[tilespmem:$0x1EDC0] =	vst v46  }
0xbf: {  	v59 =	vld [tilespmem:$0x580];
	[tilespmem:$0x1EDE0] =	vst v48  }
0xc0: {  	v61 =	vld [tilespmem:$0x600];
	[tilespmem:$0x1EE00] =	vst v50  }
0xc1: {  	v0 =	vld [tilespmem:$0xD00]  }
0xc2: {  	v52 =	vld [tilespmem:$0xD80]  }
0xc3: {  	v54 =	vld [tilespmem:$0xE00]  }
0xc4: {  	v56 =	vld [tilespmem:$0xE80]  }
0xc5: {  	v58 =	vld [tilespmem:$0xF00]  }
0xc6: {  	v63 =	vld [tilespmem:$0x1080]  }
0xc7: {  	v60 =	vld [tilespmem:$0xF80]  }
0xc8: {  	v62 =	vld [tilespmem:$0x1000]  }
0xc9: {  	v4 =	vld [tilespmem:$0x1100]  }
0xca: {  	v5 =	vld [tilespmem:$0x1180]  }
0xcb: {  	[tilespmem:$0x1EF00] =	vst v63;
	v63 =	vld [tilespmem:$0x2800]  }
0xcc: {  	v6 =	vld [tilespmem:$0x1200]  }
0xcd: {  	v7 =	vld [tilespmem:$0x1280]  }
0xce: {  	v8 =	vld [tilespmem:$0x1300]  }
0xcf: {  	v9 =	vld [tilespmem:$0x1380]  }
0xd0: {  	[tilespmem:$0x1F710] =	vst v63;
	v63 =	vld [tilespmem:$0x3F80]  }
0xd1: {  	v10 =	vld [tilespmem:$0x1400]  }
0xd2: {  	v11 =	vld [tilespmem:$0x1480]  }
0xd3: {  	v12 =	vld [tilespmem:$0x1500]  }
0xd4: {  	v13 =	vld [tilespmem:$0x1580]  }
0xd5: {  	[tilespmem:$0x1FFE0] =	vst v63;
	v63 =	vld [tilespmem:$0x11800]  }
0xd6: {  	v14 =	vld [tilespmem:$0x1600]  }
0xd7: {  	v15 =	vld [tilespmem:$0x1680]  }
0xd8: {  	v16 =	vld [tilespmem:$0x1700]  }
0xd9: {  	v17 =	vld [tilespmem:$0x1780]  }
0xda: {  	[tilespmem:$0x1F0C0] =	vst v63;
	v63 =	vld [tilespmem:$0x11900]  }
0xdb: {  	v18 =	vld [tilespmem:$0x1800]  }
0xdc: {  	[tilespmem:$0x1EF20] =	vst v4;
	v4 =	vld [tilespmem:$0x2880]  }
0xdd: {  	v19 =	vld [tilespmem:$0x1880]  }
0xde: {  	v20 =	vld [tilespmem:$0x1900]  }
0xdf: {  	[tilespmem:$0x1F120] =	vst v63;
	v63 =	vld [tilespmem:$0x11A00]  }
0xe0: {  	v21 =	vld [tilespmem:$0x1980]  }
0xe1: {  	[tilespmem:$0x1F740] =	vst v4;
	v4 =	vld [tilespmem:$0x11780]  }
0xe2: {  	v22 =	vld [tilespmem:$0x1A00]  }
0xe3: {  	v23 =	vld [tilespmem:$0x1A80]  }
0xe4: {  	[tilespmem:$0x1F180] =	vst v63;
	v63 =	vld [tilespmem:$0x11B00]  }
0xe5: {  	v24 =	vld [tilespmem:$0x1B00]  }
0xe6: {  	[tilespmem:$0x1F090] =	vst v4;
	v4 =	vld [tilespmem:$0x11880]  }
0xe7: {  	v25 =	vld [tilespmem:$0x1B80]  }
0xe8: {  	v26 =	vld [tilespmem:$0x1C00]  }
0xe9: {  	[tilespmem:$0x1F1E0] =	vst v63;
	v63 =	vld [tilespmem:$0x11C00]  }
0xea: {  	v27 =	vld [tilespmem:$0x1C80]  }
0xeb: {  	[tilespmem:$0x1F0F0] =	vst v4;
	v4 =	vld [tilespmem:$0x11980]  }
0xec: {  	v28 =	vld [tilespmem:$0x1D00]  }
0xed: {  	v29 =	vld [tilespmem:$0x1D80]  }
0xee: {  	[tilespmem:$0x1F240] =	vst v63;
	v63 =	vld [tilespmem:$0x11D00]  }
0xef: {  	v30 =	vld [tilespmem:$0x1E00]  }
0xf0: {  	[tilespmem:$0x1F150] =	vst v4;
	v4 =	vld [tilespmem:$0x11A80]  }
0xf1: {  	v31 =	vld [tilespmem:$0x1E80]  }
0xf2: {  	v32 =	vld [tilespmem:$0x1F00]  }
0xf3: {  	[tilespmem:$0x1F2A0] =	vst v63;
	v63 =	vld [tilespmem:$0x11E00]  }
0xf4: {  	v33 =	vld [tilespmem:$0x1F80]  }
0xf5: {  	[tilespmem:$0x1F1B0] =	vst v4;
	v4 =	vld [tilespmem:$0x11B80]  }
0xf6: {  	v34 =	vld [tilespmem:$0x2000]  }
0xf7: {  	v35 =	vld [tilespmem:$0x2080]  }
0xf8: {  	[tilespmem:$0x1F300] =	vst v63;
	v63 =	vld [tilespmem:$0x11F00]  }
0xf9: {  	v36 =	vld [tilespmem:$0x2100]  }
0xfa: {  	[tilespmem:$0x1F210] =	vst v4;
	v4 =	vld [tilespmem:$0x11C80]  }
0xfb: {  	v37 =	vld [tilespmem:$0x2180]  }
0xfc: {  	v38 =	vld [tilespmem:$0x2200]  }
0xfd: {  	[tilespmem:$0x1F360] =	vst v63;
	v63 =	vld [tilespmem:$0x12000]  }
0xfe: {  	v41 =	vld [tilespmem:$0x2280]  }
0xff: {  	[tilespmem:$0x1F270] =	vst v4;
	v4 =	vld [tilespmem:$0x11D80]  }
0x100: {  	v43 =	vld [tilespmem:$0x2300]  }
0x101: {  	v46 =	vld [tilespmem:$0x2380]  }
0x102: {  	[tilespmem:$0x1F3C0] =	vst v63;
	v63 =	vld [tilespmem:$0x12100]  }
0x103: {  	v48 =	vld [tilespmem:$0x2400]  }
0x104: {  	[tilespmem:$0x1F2D0] =	vst v4;
	v4 =	vld [tilespmem:$0x11E80]  }
0x105: {  	v50 =	vld [tilespmem:$0x2480]  }
0x106: {  	v1 =	vld [tilespmem:$0x4080]  }
0x107: {  	[tilespmem:$0x1F420] =	vst v63;
	v63 =	vld [tilespmem:$0x12200]  }
0x108: {  	v2 =	vld [tilespmem:$0x4100]  }
0x109: {  	[tilespmem:$0x1F330] =	vst v4;
	v4 =	vld [tilespmem:$0x11F80]  }
0x10a: {  	v3 =	vld [tilespmem:$0x4180]  }
0x10b: {  	[tilespmem:$0x1EE40] =	vst v52;
	v52 =	vld [tilespmem:$0x2500]  }
0x10c: {  	[tilespmem:$0x1F480] =	vst v63;
	v63 =	vld [tilespmem:$0x12300]  }
0x10d: {  	[tilespmem:$0x1EE60] =	vst v54;
	v54 =	vld [tilespmem:$0x2580]  }
0x10e: {  	[tilespmem:$0x1F390] =	vst v4;
	v4 =	vld [tilespmem:$0x12080]  }
0x10f: {  	[tilespmem:$0x1EE80] =	vst v56;
	v56 =	vld [tilespmem:$0x2600]  }
0x110: {  	[tilespmem:$0x1EEA0] =	vst v58;
	v58 =	vld [tilespmem:$0x2680]  }
0x111: {  	[tilespmem:$0x1F4E0] =	vst v63;
	v63 =	vld [tilespmem:$0x12400]  }
0x112: {  	[tilespmem:$0x1EEC0] =	vst v60;
	v60 =	vld [tilespmem:$0x2700]  }
0x113: {  	[tilespmem:$0x1F3F0] =	vst v4;
	v4 =	vld [tilespmem:$0x12180]  }
0x114: {  	[tilespmem:$0x1EEE0] =	vst v62;
	v62 =	vld [tilespmem:$0x2780]  }
0x115: {  	[tilespmem:$0x1EF40] =	vst v5;
	v5 =	vld [tilespmem:$0x2900]  }
0x116: {  	[tilespmem:$0x1F540] =	vst v63;
	v63 =	vld [tilespmem:$0x12500]  }
0x117: {  	[tilespmem:$0x1EF60] =	vst v6;
	v6 =	vld [tilespmem:$0x2980]  }
0x118: {  	[tilespmem:$0x1F450] =	vst v4;
	v4 =	vld [tilespmem:$0x12280]  }
0x119: {  	[tilespmem:$0x1EF80] =	vst v7;
	v7 =	vld [tilespmem:$0x2A00]  }
0x11a: {  	[tilespmem:$0x1EFA0] =	vst v8;
	v8 =	vld [tilespmem:$0x2A80]  }
0x11b: {  	[tilespmem:$0x1F5A0] =	vst v63;
	v63 =	vld [tilespmem:$0x12600]  }
0x11c: {  	[tilespmem:$0x1EFC0] =	vst v9;
	v9 =	vld [tilespmem:$0x2B00]  }
0x11d: {  	[tilespmem:$0x1F4B0] =	vst v4;
	v4 =	vld [tilespmem:$0x12380]  }
0x11e: {  	[tilespmem:$0x1EFE0] =	vst v10;
	v10 =	vld [tilespmem:$0x2B80]  }
0x11f: {  	[tilespmem:$0x1F000] =	vst v11;
	v11 =	vld [tilespmem:$0x2C00]  }
0x120: {  	[tilespmem:$0x1F600] =	vst v63;
	v63 =	vld [tilespmem:$0x12700]  }
0x121: {  	[tilespmem:$0x1F020] =	vst v12;
	v12 =	vld [tilespmem:$0x2C80]  }
0x122: {  	[tilespmem:$0x1F510] =	vst v4;
	v4 =	vld [tilespmem:$0x12480]  }
0x123: {  	[tilespmem:$0x1F040] =	vst v13;
	v13 =	vld [tilespmem:$0x2D00]  }
0x124: {  	[tilespmem:$0x1F060] =	vst v14;
	v14 =	vld [tilespmem:$0x2D80]  }
0x125: {  	[tilespmem:$0x1F660] =	vst v63;
	v63 =	vld [tilespmem:$0x12800]  }
0x126: {  	[tilespmem:$0x1F080] =	vst v15;
	v15 =	vld [tilespmem:$0x2E00]  }
0x127: {  	[tilespmem:$0x1F570] =	vst v4;
	v4 =	vld [tilespmem:$0x12580]  }
0x128: {  	[tilespmem:$0x1F0B0] =	vst v16;
	v16 =	vld [tilespmem:$0x2E80]  }
0x129: {  	[tilespmem:$0x1F0E0] =	vst v17;
	v17 =	vld [tilespmem:$0x2F00]  }
0x12a: {  	[tilespmem:$0x1F6C0] =	vst v63;
	v63 =	vld [tilespmem:$0x12900]  }
0x12b: {  	[tilespmem:$0x1F110] =	vst v18;
	v18 =	vld [tilespmem:$0x2F80]  }
0x12c: {  	[tilespmem:$0x1F5D0] =	vst v4;
	v4 =	vld [tilespmem:$0x12680]  }
0x12d: {  	[tilespmem:$0x1F140] =	vst v19;
	v19 =	vld [tilespmem:$0x3000]  }
0x12e: {  	[tilespmem:$0x1F170] =	vst v20;
	v20 =	vld [tilespmem:$0x3080]  }
0x12f: {  	[tilespmem:$0x1F720] =	vst v63;
	v63 =	vld [tilespmem:$0x12A00]  }
0x130: {  	[tilespmem:$0x1F1A0] =	vst v21;
	v21 =	vld [tilespmem:$0x3100]  }
0x131: {  	[tilespmem:$0x1F630] =	vst v4;
	v4 =	vld [tilespmem:$0x12780]  }
0x132: {  	[tilespmem:$0x1F1D0] =	vst v22;
	v22 =	vld [tilespmem:$0x3180]  }
0x133: {  	[tilespmem:$0x1F200] =	vst v23;
	v23 =	vld [tilespmem:$0x3200]  }
0x134: {  	[tilespmem:$0x1F780] =	vst v63;
	v63 =	vld [tilespmem:$0x12B00]  }
0x135: {  	[tilespmem:$0x1F230] =	vst v24;
	v24 =	vld [tilespmem:$0x3280]  }
0x136: {  	[tilespmem:$0x1F690] =	vst v4;
	v4 =	vld [tilespmem:$0x12880]  }
0x137: {  	[tilespmem:$0x1F260] =	vst v25;
	v25 =	vld [tilespmem:$0x3300]  }
0x138: {  	[tilespmem:$0x1F290] =	vst v26;
	v26 =	vld [tilespmem:$0x3380]  }
0x139: {  	[tilespmem:$0x1F7E0] =	vst v63;
	v63 =	vld [tilespmem:$0x12C00]  }
0x13a: {  	[tilespmem:$0x1F2C0] =	vst v27;
	v27 =	vld [tilespmem:$0x3400]  }
0x13b: {  	[tilespmem:$0x1F6F0] =	vst v4;
	v4 =	vld [tilespmem:$0x12980]  }
0x13c: {  	[tilespmem:$0x1F2F0] =	vst v28;
	v28 =	vld [tilespmem:$0x3480]  }
0x13d: {  	[tilespmem:$0x1F320] =	vst v29;
	v29 =	vld [tilespmem:$0x3500]  }
0x13e: {  	[tilespmem:$0x1F840] =	vst v63;
	v63 =	vld [tilespmem:$0x12D00]  }
0x13f: {  	[tilespmem:$0x1F350] =	vst v30;
	v30 =	vld [tilespmem:$0x3580]  }
0x140: {  	[tilespmem:$0x1F750] =	vst v4;
	v4 =	vld [tilespmem:$0x12A80]  }
0x141: {  	[tilespmem:$0x1F380] =	vst v31;
	v31 =	vld [tilespmem:$0x3600]  }
0x142: {  	[tilespmem:$0x1F3B0] =	vst v32;
	v32 =	vld [tilespmem:$0x3680]  }
0x143: {  	[tilespmem:$0x1F8A0] =	vst v63;
	v63 =	vld [tilespmem:$0x12E00]  }
0x144: {  	[tilespmem:$0x1F3E0] =	vst v33;
	v33 =	vld [tilespmem:$0x3700]  }
0x145: {  	[tilespmem:$0x1F7B0] =	vst v4;
	v4 =	vld [tilespmem:$0x12B80]  }
0x146: {  	[tilespmem:$0x1F410] =	vst v34;
	v34 =	vld [tilespmem:$0x3780]  }
0x147: {  	[tilespmem:$0x1F440] =	vst v35;
	v35 =	vld [tilespmem:$0x3800]  }
0x148: {  	[tilespmem:$0x1F900] =	vst v63;
	v63 =	vld [tilespmem:$0x12F00]  }
0x149: {  	[tilespmem:$0x1F470] =	vst v36;
	v36 =	vld [tilespmem:$0x3880]  }
0x14a: {  	[tilespmem:$0x1F810] =	vst v4;
	v4 =	vld [tilespmem:$0x12C80]  }
0x14b: {  	[tilespmem:$0x1F4A0] =	vst v37;
	v37 =	vld [tilespmem:$0x3900]  }
0x14c: {  	[tilespmem:$0x1F4D0] =	vst v38;
	v38 =	vld [tilespmem:$0x3980]  }
0x14d: {  	[tilespmem:$0x1F960] =	vst v63;
	v63 =	vld [tilespmem:$0x13000]  }
0x14e: {  	[tilespmem:$0x1F500] =	vst v41;
	v41 =	vld [tilespmem:$0x3A00]  }
0x14f: {  	[tilespmem:$0x1F870] =	vst v4;
	v4 =	vld [tilespmem:$0x12D80]  }
0x150: {  	[tilespmem:$0x1F530] =	vst v43;
	v43 =	vld [tilespmem:$0x3A80]  }
0x151: {  	[tilespmem:$0x1F560] =	vst v46;
	v46 =	vld [tilespmem:$0x3B00]  }
0x152: {  	[tilespmem:$0x1F9C0] =	vst v63;
	v63 =	vld [tilespmem:$0x13100]  }
0x153: {  	[tilespmem:$0x1F590] =	vst v48;
	v48 =	vld [tilespmem:$0x3B80]  }
0x154: {  	[tilespmem:$0x1F8D0] =	vst v4;
	v4 =	vld [tilespmem:$0x12E80]  }
0x155: {  	[tilespmem:$0x1F5C0] =	vst v50;
	v50 =	vld [tilespmem:$0x3C00]  }
0x156: {  	[tilespmem:$0x1EE20] =	vst v0;
	v0 =	vld [tilespmem:$0x4000]  }
0x157: {  	[tilespmem:$0x1FA20] =	vst v63;
	v63 =	vld [tilespmem:$0x13200]  }
0x158: {  	[tilespmem:$0x1F5F0] =	vst v52;
	v52 =	vld [tilespmem:$0x3C80]  }
0x159: {  	[tilespmem:$0x1F930] =	vst v4;
	v4 =	vld [tilespmem:$0x12F80]  }
0x15a: {  	[tilespmem:$0x1F620] =	vst v54;
	v54 =	vld [tilespmem:$0x3D00]  }
0x15b: {  	[tilespmem:$0x1F650] =	vst v56;
	v56 =	vld [tilespmem:$0x3D80]  }
0x15c: {  	[tilespmem:$0x1FA80] =	vst v63;
	v63 =	vld [tilespmem:$0x13300]  }
0x15d: {  	[tilespmem:$0x1F680] =	vst v58;
	v58 =	vld [tilespmem:$0x3E00]  }
0x15e: {  	[tilespmem:$0x1F990] =	vst v4;
	v4 =	vld [tilespmem:$0x13080]  }
0x15f: {  	[tilespmem:$0x1F6B0] =	vst v60;
	v60 =	vld [tilespmem:$0x3E80]  }
0x160: {  	[tilespmem:$0x1F6E0] =	vst v62;
	v62 =	vld [tilespmem:$0x3F00]  }
0x161: {  	[tilespmem:$0x1FAE0] =	vst v63;
	v63 =	vld [tilespmem:$0x13400]  }
0x162: {  	[tilespmem:$0x1F770] =	vst v5;
	v5 =	vld [tilespmem:$0x10100]  }
0x163: {  	[tilespmem:$0x1F9F0] =	vst v4;
	v4 =	vld [tilespmem:$0x13180]  }
0x164: {  	[tilespmem:$0x1F7A0] =	vst v6;
	v6 =	vld [tilespmem:$0x10180]  }
0x165: {  	[tilespmem:$0x1F7D0] =	vst v7;
	v7 =	vld [tilespmem:$0x10200]  }
0x166: {  	[tilespmem:$0x1FB40] =	vst v63;
	v63 =	vld [tilespmem:$0x13500]  }
0x167: {  	[tilespmem:$0x1F800] =	vst v8;
	v8 =	vld [tilespmem:$0x10280]  }
0x168: {  	[tilespmem:$0x1FA50] =	vst v4;
	v4 =	vld [tilespmem:$0x13280]  }
0x169: {  	[tilespmem:$0x1F830] =	vst v9;
	v9 =	vld [tilespmem:$0x10300]  }
0x16a: {  	[tilespmem:$0x1F860] =	vst v10;
	v10 =	vld [tilespmem:$0x10380]  }
0x16b: {  	[tilespmem:$0x1FBA0] =	vst v63;
	v63 =	vld [tilespmem:$0x13600]  }
0x16c: {  	[tilespmem:$0x1F890] =	vst v11;
	v11 =	vld [tilespmem:$0x10400]  }
0x16d: {  	[tilespmem:$0x1FAB0] =	vst v4;
	v4 =	vld [tilespmem:$0x13380]  }
0x16e: {  	[tilespmem:$0x1F8C0] =	vst v12;
	v12 =	vld [tilespmem:$0x10480]  }
0x16f: {  	[tilespmem:$0x1F8F0] =	vst v13;
	v13 =	vld [tilespmem:$0x10500]  }
0x170: {  	[tilespmem:$0x1FC00] =	vst v63;
	v63 =	vld [tilespmem:$0x13700]  }
0x171: {  	[tilespmem:$0x1F920] =	vst v14;
	v14 =	vld [tilespmem:$0x10580]  }
0x172: {  	[tilespmem:$0x1FB10] =	vst v4;
	v4 =	vld [tilespmem:$0x13480]  }
0x173: {  	[tilespmem:$0x1F950] =	vst v15;
	v15 =	vld [tilespmem:$0x10600]  }
0x174: {  	[tilespmem:$0x1F980] =	vst v16;
	v16 =	vld [tilespmem:$0x10680]  }
0x175: {  	[tilespmem:$0x1FC60] =	vst v63;
	v63 =	vld [tilespmem:$0x13800]  }
0x176: {  	[tilespmem:$0x1F9B0] =	vst v17;
	v17 =	vld [tilespmem:$0x10700]  }
0x177: {  	[tilespmem:$0x1FB70] =	vst v4;
	v4 =	vld [tilespmem:$0x13580]  }
0x178: {  	[tilespmem:$0x1F9E0] =	vst v18;
	v18 =	vld [tilespmem:$0x10780]  }
0x179: {  	[tilespmem:$0x1FA10] =	vst v19;
	v19 =	vld [tilespmem:$0x10800]  }
0x17a: {  	[tilespmem:$0x1FCC0] =	vst v63;
	v63 =	vld [tilespmem:$0x13900]  }
0x17b: {  	[tilespmem:$0x1FA40] =	vst v20;
	v20 =	vld [tilespmem:$0x10880]  }
0x17c: {  	[tilespmem:$0x1FBD0] =	vst v4;
	v4 =	vld [tilespmem:$0x13680]  }
0x17d: {  	[tilespmem:$0x1FA70] =	vst v21;
	v21 =	vld [tilespmem:$0x10900]  }
0x17e: {  	[tilespmem:$0x1FAA0] =	vst v22;
	v22 =	vld [tilespmem:$0x10980]  }
0x17f: {  	[tilespmem:$0x1FD20] =	vst v63;
	v63 =	vld [tilespmem:$0x13A00]  }
0x180: {  	[tilespmem:$0x1FAD0] =	vst v23;
	v23 =	vld [tilespmem:$0x10A00]  }
0x181: {  	[tilespmem:$0x1FC30] =	vst v4;
	v4 =	vld [tilespmem:$0x13780]  }
0x182: {  	[tilespmem:$0x1FB00] =	vst v24;
	v24 =	vld [tilespmem:$0x10A80]  }
0x183: {  	[tilespmem:$0x1FB30] =	vst v25;
	v25 =	vld [tilespmem:$0x10B00]  }
0x184: {  	[tilespmem:$0x1FD80] =	vst v63;
	v63 =	vld [tilespmem:$0x13B00]  }
0x185: {  	[tilespmem:$0x1FB60] =	vst v26;
	v26 =	vld [tilespmem:$0x10B80]  }
0x186: {  	[tilespmem:$0x1FC90] =	vst v4;
	v4 =	vld [tilespmem:$0x13880]  }
0x187: {  	[tilespmem:$0x1FB90] =	vst v27;
	v27 =	vld [tilespmem:$0x10C00]  }
0x188: {  	[tilespmem:$0x1FBC0] =	vst v28;
	v28 =	vld [tilespmem:$0x10C80]  }
0x189: {  	[tilespmem:$0x1FDE0] =	vst v63;
	v63 =	vld [tilespmem:$0x13C00]  }
0x18a: {  	[tilespmem:$0x1FBF0] =	vst v29;
	v29 =	vld [tilespmem:$0x10D00]  }
0x18b: {  	[tilespmem:$0x1FCF0] =	vst v4;
	v4 =	vld [tilespmem:$0x13980]  }
0x18c: {  	[tilespmem:$0x1FC20] =	vst v30;
	v30 =	vld [tilespmem:$0x10D80]  }
0x18d: {  	[tilespmem:$0x1FC50] =	vst v31;
	v31 =	vld [tilespmem:$0x10E00]  }
0x18e: {  	[tilespmem:$0x1FE40] =	vst v63;
	v63 =	vld [tilespmem:$0x13D00]  }
0x18f: {  	[tilespmem:$0x1FC80] =	vst v32;
	v32 =	vld [tilespmem:$0x10E80]  }
0x190: {  	[tilespmem:$0x1FD50] =	vst v4;
	v4 =	vld [tilespmem:$0x13A80]  }
0x191: {  	[tilespmem:$0x1FCB0] =	vst v33;
	v33 =	vld [tilespmem:$0x10F00]  }
0x192: {  	[tilespmem:$0x1FCE0] =	vst v34;
	v34 =	vld [tilespmem:$0x10F80]  }
0x193: {  	[tilespmem:$0x1FEA0] =	vst v63;
	v63 =	vld [tilespmem:$0x13E00]  }
0x194: {  	[tilespmem:$0x1FD10] =	vst v35;
	v35 =	vld [tilespmem:$0x11000]  }
0x195: {  	[tilespmem:$0x1FDB0] =	vst v4;
	v4 =	vld [tilespmem:$0x13B80]  }
0x196: {  	[tilespmem:$0x1FD40] =	vst v36;
	v36 =	vld [tilespmem:$0x11080]  }
0x197: {  	[tilespmem:$0x1FD70] =	vst v37;
	v37 =	vld [tilespmem:$0x11100]  }
0x198: {  	[tilespmem:$0x1FF00] =	vst v63;
	v63 =	vld [tilespmem:$0x13F00]  }
0x199: {  	[tilespmem:$0x1FDA0] =	vst v38;
	v38 =	vld [tilespmem:$0x11180]  }
0x19a: {  	[tilespmem:$0x1FE10] =	vst v4;
	v4 =	vld [tilespmem:$0x13C80]  }
0x19b: {  	[tilespmem:$0x1FDD0] =	vst v41;
	v41 =	vld [tilespmem:$0x11200]  }
0x19c: {  	[tilespmem:$0x1FE00] =	vst v43;
	v43 =	vld [tilespmem:$0x11280]  }
0x19d: {  	[tilespmem:$0x1FF60] =	vst v63;
	v63 =	vld [tilespmem:$0x14000]  }
0x19e: {  	[tilespmem:$0x1FE30] =	vst v46;
	v46 =	vld [tilespmem:$0x11300]  }
0x19f: {  	[tilespmem:$0x1FE70] =	vst v4;
	v4 =	vld [tilespmem:$0x13D80]  }
0x1a0: {  	[tilespmem:$0x1FE60] =	vst v48;
	v48 =	vld [tilespmem:$0x11380]  }
0x1a1: {  	[tilespmem:$0x1FE90] =	vst v50;
	v50 =	vld [tilespmem:$0x11400]  }
0x1a2: {  	[tilespmem:$0x1FFC0] =	vst v63;
	v63 =	vld [tilespmem:$0x1EBA0]  }
0x1a3: {  	[tilespmem:$0x1FEC0] =	vst v52;
	v52 =	vld [tilespmem:$0x11480]  }
0x1a4: {  	[tilespmem:$0x1FED0] =	vst v4;
	v4 =	vld [tilespmem:$0x13E80]  }
0x1a5: {  	[tilespmem:$0x1FEF0] =	vst v54;
	v54 =	vld [tilespmem:$0x11500]  }
0x1a6: {  	[tilespmem:$0x1FF20] =	vst v56;
	v56 =	vld [tilespmem:$0x11580]  }
0x1a7: {  	v39 =	vmul.f32 v39, v63;
	v63 =	vld [tilespmem:$0x1EBB0]  }
0x1a8: {  	[tilespmem:$0x1FF50] =	vst v58;
	v58 =	vld [tilespmem:$0x11600]  }
0x1a9: {  	[tilespmem:$0x1FF30] =	vst v4;
	v4 =	vld [tilespmem:$0x13F80]  }
0x1aa: {  	[tilespmem:$0x1FF80] =	vst v60;
	v60 =	vld [tilespmem:$0x11680]  }
0x1ab: {  	[tilespmem:$0x1FFB0] =	vst v62;
	v62 =	vld [tilespmem:$0x11700]  }
0x1ac: {  	v40 =	vmul.f32 v40, v63;
	v63 =	vld [tilespmem:$0x1EBC0]  }
0x1ad: {  	v0 =	vmul.f32 v0, v5;
	v5 =	vld [tilespmem:$0x4280]  }
0x1ae: {  	[tilespmem:$0x1FF90] =	vst v4;
	v4 =	vld [tilespmem:$0x14080]  }
0x1af: {  	v1 =	vmul.f32 v1, v6;
	v6 =	vld [tilespmem:$0x4300]  }
0x1b0: {  	v2 =	vmul.f32 v2, v7;
	v7 =	vld [tilespmem:$0x4380]  }
0x1b1: {  	v42 =	vmul.f32 v42, v63;
	v63 =	vld [tilespmem:$0x1EBD0]  }
0x1b2: {  	v3 =	vmul.f32 v3, v8;
	v8 =	vld [tilespmem:$0x4400];
	v0 =	vadd.f32 v0, v39  }
0x1b3: {  	[tilespmem:$0x1FFF0] =	vst v4;
	v4 =	vld [tilespmem:$0x4200]  }
0x1b4: {  	[tilespmem:$0x8000] =	vst v0;
	v0 =	vld [tilespmem:$0x4480];
	v1 =	vadd.f32 v1, v40  }
0x1b5: {  	v2 =	vadd.f32 v2, v42;
	v42 =	vld [tilespmem:$0x4600]  }
0x1b6: {  	[tilespmem:$0x8080] =	vst v1;
	v1 =	vld [tilespmem:$0x4500];
	v39 =	vmul.f32 v44, v63  }
0x1b7: {  	v44 =	vld [tilespmem:$0x1EBE0]  }
0x1b8: {  	v63 =	vld [tilespmem:$0x1EC00];
	v3 =	vadd.f32 v3, v39  }
0x1b9: {  	v39 =	vld [tilespmem:$0x4580]  }
0x1ba: {  	[tilespmem:$0x8180] =	vst v3;
	v3 =	vmul.f32 v42, v17;
	v17 =	vld [tilespmem:$0x4900]  }
0x1bb: {  	v42 =	vld [tilespmem:$0x1ECB0]  }
0x1bc: {  	v40 =	vmul.f32 v45, v44;
	v45 =	vld [tilespmem:$0x1EBF0]  }
0x1bd: {  	v5 =	vmul.f32 v5, v10;
	v44 =	vld [tilespmem:$0x1EC20]  }
0x1be: {  	v4 =	vmul.f32 v4, v9;
	v10 =	vmul.f32 v49, v63;
	v49 =	vld [tilespmem:$0x4700]  }
0x1bf: {  	v63 =	vld [tilespmem:$0x1EC70]  }
0x1c0: {  	v4 =	vadd.f32 v4, v40;
	v40 =	vld [tilespmem:$0x1EC10]  }
0x1c1: {  	[tilespmem:$0x8100] =	vst v2;
	v2 =	vmul.f32 v39, v16;
	v16 =	vld [tilespmem:$0x1EC80]  }
0x1c2: {  	v39 =	vld [tilespmem:$0x1ECA0]  }
0x1c3: {  	v9 =	vmul.f32 v47, v45;
	v45 =	vld [tilespmem:$0x4680]  }
0x1c4: {  	v47 =	vld [tilespmem:$0x1EC30]  }
0x1c5: {  	v6 =	vmul.f32 v6, v11;
	v11 =	vmul.f32 v51, v40;
	v51 =	vld [tilespmem:$0x1EC40]  }
0x1c6: {  	v5 =	vadd.f32 v5, v9;
	v9 =	vmul.f32 v53, v44;
	v53 =	vld [tilespmem:$0x4780]  }
0x1c7: {  	v40 =	vld [tilespmem:$0x4980]  }
0x1c8: {  	v44 =	vld [tilespmem:$0x1ECC0]  }
0x1c9: {  	[tilespmem:$0x8280] =	vst v5;
	v5 =	vmul.f32 v49, v19;
	v49 =	vld [tilespmem:$0x1ECE0]  }
0x1ca: {  	v19 =	vld [tilespmem:$0x1ED50]  }
0x1cb: {  	v6 =	vadd.f32 v6, v10;
	v10 =	vmul.f32 v55, v47;
	v55 =	vld [tilespmem:$0x1EC50]  }
0x1cc: {  	[tilespmem:$0x8200] =	vst v4;
	v4 =	vmul.f32 v45, v18;
	v18 =	vld [tilespmem:$0x1EC90]  }
0x1cd: {  	v7 =	vmul.f32 v7, v12;
	v45 =	vld [tilespmem:$0x4A00]  }
0x1ce: {  	v47 =	vld [tilespmem:$0x1ECD0]  }
0x1cf: {  	v7 =	vadd.f32 v7, v11;
	v11 =	vmul.f32 v57, v51;
	v57 =	vld [tilespmem:$0x4800]  }
0x1d0: {  	v51 =	vld [tilespmem:$0x4A80]  }
0x1d1: {  	v1 =	vmul.f32 v1, v15;
	[tilespmem:$0x8300] =	vst v6;
	v6 =	vmul.f32 v53, v20;
	v53 =	vld [tilespmem:$0x1ECF0]  }
0x1d2: {  	v8 =	vmul.f32 v8, v13;
	v0 =	vmul.f32 v0, v14;
	v20 =	vld [tilespmem:$0x1ED60]  }
0x1d3: {  	v1 =	vadd.f32 v1, v11;
	v11 =	vmul.f32 v16, v63;
	v63 =	vld [tilespmem:$0x4B80]  }
0x1d4: {  	v8 =	vadd.f32 v8, v9;
	v0 =	vadd.f32 v0, v10;
	v9 =	vmul.f32 v59, v55;
	v59 =	vld [tilespmem:$0x1EC60]  }
0x1d5: {  	v16 =	vld [tilespmem:$0x1ED30]  }
0x1d6: {  	[tilespmem:$0x8480] =	vst v0;
	v0 =	vmul.f32 v17, v23;
	v17 =	vld [tilespmem:$0x1ED40]  }
0x1d7: {  	v23 =	vld [tilespmem:$0x1ED80]  }
0x1d8: {  	v55 =	vld [tilespmem:$0x1ED00]  }
0x1d9: {  	v10 =	vmul.f32 v61, v59;
	v61 =	vld [tilespmem:$0x4880]  }
0x1da: {  	[tilespmem:$0x8500] =	vst v1;
	v1 =	vmul.f32 v40, v24;
	v24 =	vld [tilespmem:$0x4D00]  }
0x1db: {  	v40 =	vld [tilespmem:$0x1EDC0]  }
0x1dc: {  	[tilespmem:$0x8380] =	vst v7;
	v4 =	vadd.f32 v4, v11;
	v7 =	vmul.f32 v57, v21;
	v57 =	vld [tilespmem:$0x4B00]  }
0x1dd: {  	v11 =	vmul.f32 v49, v47;
	v2 =	vadd.f32 v2, v9;
	v9 =	vmul.f32 v39, v18;
	v59 =	vld [tilespmem:$0x1ED10]  }
0x1de: {  	[tilespmem:$0x8400] =	vst v8;
	v8 =	vmul.f32 v61, v22;
	v61 =	vld [tilespmem:$0x1ED20]  }
0x1df: {  	v18 =	vld [tilespmem:$0x4C00];
	[tilespmem:$0x8680] =	vst v4;
	v5 =	vadd.f32 v5, v9;
	v7 =	vadd.f32 v7, v11;
	v11 =	vmul.f32 v17, v16  }
0x1e0: {  	v21 =	vld [tilespmem:$0x4C80];
	[tilespmem:$0x8580] =	vst v2  }
0x1e1: {  	v39 =	vld [tilespmem:$0x1EDB0];
	[tilespmem:$0x8700] =	vst v5;
	v1 =	vadd.f32 v1, v11;
	v3 =	vadd.f32 v3, v10;
	v10 =	vmul.f32 v44, v42  }
0x1e2: {  	v2 =	vmul.f32 v45, v25;
	v25 =	vld [tilespmem:$0x1ED90];
	v9 =	vmul.f32 v55, v53;
	[tilespmem:$0x8800] =	vst v7  }
0x1e3: {  	v4 =	vmul.f32 v57, v27;
	v27 =	vld [tilespmem:$0x4D80];
	[tilespmem:$0x8980] =	vst v1;
	v6 =	vadd.f32 v6, v10;
	v10 =	vmul.f32 v61, v59  }
0x1e4: {  	v42 =	vld [tilespmem:$0x4E00];
	[tilespmem:$0x8600] =	vst v3;
	v8 =	vadd.f32 v8, v9  }
0x1e5: {  	v44 =	vld [tilespmem:$0x1EDD0];
	[tilespmem:$0x8780] =	vst v6;
	v0 =	vadd.f32 v0, v10  }
0x1e6: {  	v3 =	vmul.f32 v51, v26;
	v26 =	vld [tilespmem:$0x1EDA0];
	[tilespmem:$0x8880] =	vst v8  }
0x1e7: {  	v22 =	vld [tilespmem:$0x1ED70];
	[tilespmem:$0x8900] =	vst v0  }
0x1e8: {  	v45 =	vld [tilespmem:$0x1EDE0]  }
0x1e9: {  	v47 =	vld [tilespmem:$0x4E80]  }
0x1ea: {  	v49 =	vld [tilespmem:$0x1EDF0]  }
0x1eb: {  	v51 =	vld [tilespmem:$0x1EE00]  }
0x1ec: {  	v53 =	vld [tilespmem:$0x4F00]  }
0x1ed: {  	v55 =	vld [tilespmem:$0x1EE10]  }
0x1ee: {  	v57 =	vld [tilespmem:$0x1EE20]  }
0x1ef: {  	v59 =	vld [tilespmem:$0x4F80]  }
0x1f0: {  	v61 =	vld [tilespmem:$0x1EE30]  }
0x1f1: {  	v5 =	vmul.f32 v63, v28;
	v63 =	vld [tilespmem:$0x1EE40]  }
0x1f2: {  	v16 =	vld [tilespmem:$0x5000]  }
0x1f3: {  	v17 =	vld [tilespmem:$0x1EE50]  }
0x1f4: {  	v6 =	vmul.f32 v18, v29;
	v18 =	vld [tilespmem:$0x1EE60]  }
0x1f5: {  	v9 =	vmul.f32 v20, v19;
	v19 =	vld [tilespmem:$0x5080]  }
0x1f6: {  	v20 =	vld [tilespmem:$0x1EE70]  }
0x1f7: {  	v7 =	vmul.f32 v21, v30;
	v21 =	vld [tilespmem:$0x1EE80]  }
0x1f8: {  	v10 =	vmul.f32 v23, v22;
	v22 =	vld [tilespmem:$0x5100]  }
0x1f9: {  	v23 =	vld [tilespmem:$0x1EE90]  }
0x1fa: {  	v8 =	vmul.f32 v24, v31;
	v24 =	vld [tilespmem:$0x1EEA0]  }
0x1fb: {  	v11 =	vmul.f32 v26, v25;
	v25 =	vld [tilespmem:$0x5180]  }
0x1fc: {  	v26 =	vld [tilespmem:$0x1EEB0]  }
0x1fd: {  	v0 =	vmul.f32 v27, v32;
	v27 =	vld [tilespmem:$0x1EEC0]  }
0x1fe: {  	v28 =	vld [tilespmem:$0x5200]  }
0x1ff: {  	v29 =	vld [tilespmem:$0x1EED0]  }
0x200: {  	v30 =	vld [tilespmem:$0x1EEE0]  }
0x201: {  	v31 =	vld [tilespmem:$0x5280]  }
0x202: {  	v32 =	vld [tilespmem:$0x1EEF0]  }
0x203: {  	v1 =	vmul.f32 v42, v33;
	v33 =	vld [tilespmem:$0x1EF00]  }
0x204: {  	v2 =	vadd.f32 v2, v9;
	v9 =	vmul.f32 v40, v39;
	v39 =	vld [tilespmem:$0x1EF40]  }
0x205: {  	v40 =	vld [tilespmem:$0x5400]  }
0x206: {  	v3 =	vadd.f32 v3, v10;
	v42 =	vld [tilespmem:$0x1EF60]  }
0x207: {  	v4 =	vadd.f32 v4, v11;
	[tilespmem:$0x8A00] =	vst v2;
	v2 =	vmul.f32 v47, v34;
	v34 =	vld [tilespmem:$0x5300]  }
0x208: {  	v5 =	vadd.f32 v5, v9;
	[tilespmem:$0x8A80] =	vst v3;
	v3 =	vmul.f32 v53, v35;
	v35 =	vld [tilespmem:$0x1EF10]  }
0x209: {  	[tilespmem:$0x8B00] =	vst v4;
	v4 =	vmul.f32 v59, v36;
	v36 =	vld [tilespmem:$0x1EF20]  }
0x20a: {  	[tilespmem:$0x8B80] =	vst v5;
	v5 =	vmul.f32 v16, v37;
	v37 =	vld [tilespmem:$0x5380]  }
0x20b: {  	v10 =	vmul.f32 v45, v44;
	v44 =	vld [tilespmem:$0x1EF70]  }
0x20c: {  	v45 =	vld [tilespmem:$0x1EF80]  }
0x20d: {  	v47 =	vld [tilespmem:$0x1EF90]  }
0x20e: {  	v11 =	vmul.f32 v51, v49;
	v49 =	vld [tilespmem:$0x5580]  }
0x20f: {  	v51 =	vld [tilespmem:$0x1EFC0]  }
0x210: {  	v53 =	vld [tilespmem:$0x1EFD0]  }
0x211: {  	v9 =	vmul.f32 v57, v55;
	v55 =	vld [tilespmem:$0x1EFE0]  }
0x212: {  	v57 =	vld [tilespmem:$0x5680]  }
0x213: {  	v59 =	vld [tilespmem:$0x1EFF0]  }
0x214: {  	v16 =	vld [tilespmem:$0x1F010]  }
0x215: {  	v6 =	vadd.f32 v6, v10;
	v10 =	vmul.f32 v63, v61;
	v61 =	vld [tilespmem:$0x1F000]  }
0x216: {  	v63 =	vld [tilespmem:$0x5700]  }
0x217: {  	v7 =	vadd.f32 v7, v11;
	v11 =	vmul.f32 v18, v17;
	v17 =	vld [tilespmem:$0x1F020]  }
0x218: {  	v18 =	vld [tilespmem:$0x5780]  }
0x219: {  	v8 =	vadd.f32 v8, v9;
	v9 =	vmul.f32 v21, v20;
	v20 =	vld [tilespmem:$0x1F040]  }
0x21a: {  	v21 =	vld [tilespmem:$0x5800]  }
0x21b: {  	[tilespmem:$0x8C00] =	vst v6;
	v6 =	vmul.f32 v19, v38;
	v38 =	vld [tilespmem:$0x1EF30]  }
0x21c: {  	[tilespmem:$0x8C80] =	vst v7;
	v7 =	vmul.f32 v22, v41;
	v41 =	vld [tilespmem:$0x1EF50]  }
0x21d: {  	[tilespmem:$0x8D00] =	vst v8;
	v8 =	vmul.f32 v25, v43;
	v43 =	vld [tilespmem:$0x5480]  }
0x21e: {  	v19 =	vld [tilespmem:$0x1F030]  }
0x21f: {  	v22 =	vld [tilespmem:$0x1F050]  }
0x220: {  	v0 =	vadd.f32 v0, v10;
	v10 =	vmul.f32 v24, v23;
	v23 =	vld [tilespmem:$0x1F060]  }
0x221: {  	v24 =	vld [tilespmem:$0x5880]  }
0x222: {  	v25 =	vld [tilespmem:$0x1F070]  }
0x223: {  	v1 =	vadd.f32 v1, v11;
	v11 =	vmul.f32 v27, v26;
	v26 =	vld [tilespmem:$0x1F080]  }
0x224: {  	v27 =	vld [tilespmem:$0x1F090]  }
0x225: {  	v2 =	vadd.f32 v2, v9;
	v9 =	vmul.f32 v30, v29;
	v29 =	vld [tilespmem:$0x1F0A0]  }
0x226: {  	v30 =	vld [tilespmem:$0x1F0B0]  }
0x227: {  	[tilespmem:$0x8D80] =	vst v0;
	v0 =	vmul.f32 v28, v46;
	v46 =	vld [tilespmem:$0x5500]  }
0x228: {  	[tilespmem:$0x8E00] =	vst v1;
	v1 =	vmul.f32 v31, v48;
	v48 =	vld [tilespmem:$0x1EFA0]  }
0x229: {  	[tilespmem:$0x8E80] =	vst v2;
	v2 =	vmul.f32 v34, v50;
	v50 =	vld [tilespmem:$0x1EFB0]  }
0x22a: {  	v28 =	vld [tilespmem:$0x5900]  }
0x22b: {  	v31 =	vld [tilespmem:$0x1F0C0]  }
0x22c: {  	v3 =	vadd.f32 v3, v10;
	v10 =	vmul.f32 v33, v32;
	v32 =	vld [tilespmem:$0x5980]  }
0x22d: {  	v33 =	vld [tilespmem:$0x1F0D0]  }
0x22e: {  	v34 =	vld [tilespmem:$0x1F0E0]  }
0x22f: {  	v4 =	vadd.f32 v4, v11;
	v11 =	vmul.f32 v36, v35;
	v35 =	vld [tilespmem:$0x1F0F0]  }
0x230: {  	v36 =	vld [tilespmem:$0x5A00]  }
0x231: {  	[tilespmem:$0x8F00] =	vst v3;
	v3 =	vmul.f32 v37, v52;
	v52 =	vld [tilespmem:$0x5600]  }
0x232: {  	v37 =	vld [tilespmem:$0x1F100]  }
0x233: {  	[tilespmem:$0x8F80] =	vst v4;
	v4 =	vmul.f32 v40, v54;
	v40 =	vld [tilespmem:$0x5A80]  }
0x234: {  	v7 =	vadd.f32 v7, v11;
	v11 =	vmul.f32 v45, v44;
	v44 =	vld [tilespmem:$0x5B00]  }
0x235: {  	v45 =	vld [tilespmem:$0x1F160]  }
0x236: {  	v54 =	vld [tilespmem:$0x1F1D0]  }
0x237: {  	v5 =	vadd.f32 v5, v9;
	v9 =	vmul.f32 v39, v38;
	v38 =	vld [tilespmem:$0x1F110]  }
0x238: {  	v39 =	vld [tilespmem:$0x1F120]  }
0x239: {  	v6 =	vadd.f32 v6, v10;
	v10 =	vmul.f32 v42, v41;
	v41 =	vld [tilespmem:$0x1F130]  }
0x23a: {  	v42 =	vld [tilespmem:$0x1F140]  }
0x23b: {  	[tilespmem:$0x9000] =	vst v5;
	v5 =	vmul.f32 v43, v56;
	v43 =	vld [tilespmem:$0x1F150]  }
0x23c: {  	v56 =	vld [tilespmem:$0x5C80]  }
0x23d: {  	[tilespmem:$0x9100] =	vst v7;
	v7 =	vmul.f32 v49, v60;
	v49 =	vld [tilespmem:$0x1F190]  }
0x23e: {  	v1 =	vadd.f32 v1, v11;
	v11 =	vmul.f32 v55, v53;
	v53 =	vld [tilespmem:$0x1F1C0]  }
0x23f: {  	v55 =	vld [tilespmem:$0x1F1E0]  }
0x240: {  	v60 =	vld [tilespmem:$0x5D00]  }
0x241: {  	[tilespmem:$0x9080] =	vst v6;
	v6 =	vmul.f32 v46, v58;
	v46 =	vld [tilespmem:$0x1F170]  }
0x242: {  	v8 =	vadd.f32 v8, v9;
	v9 =	vmul.f32 v48, v47;
	v47 =	vld [tilespmem:$0x1F180]  }
0x243: {  	v48 =	vld [tilespmem:$0x5B80]  }
0x244: {  	v0 =	vadd.f32 v0, v10;
	v10 =	vmul.f32 v51, v50;
	v50 =	vld [tilespmem:$0x1F1A0]  }
0x245: {  	v51 =	vld [tilespmem:$0x1F1B0]  }
0x246: {  	v58 =	vld [tilespmem:$0x1F200]  }
0x247: {  	[tilespmem:$0x9280] =	vst v1;
	v1 =	vmul.f32 v63, v31;
	v63 =	vld [tilespmem:$0x1F240]  }
0x248: {  	v4 =	vadd.f32 v4, v11;
	v11 =	vmul.f32 v20, v19;
	v19 =	vld [tilespmem:$0x1F270]  }
0x249: {  	v20 =	vld [tilespmem:$0x5E00]  }
0x24a: {  	v31 =	vld [tilespmem:$0x1F300]  }
0x24b: {  	[tilespmem:$0x9180] =	vst v8;
	v8 =	vmul.f32 v52, v62;
	v52 =	vld [tilespmem:$0x5C00]  }
0x24c: {  	[tilespmem:$0x9200] =	vst v0;
	v0 =	vmul.f32 v57, v27;
	v57 =	vld [tilespmem:$0x1F1F0]  }
0x24d: {  	v2 =	vadd.f32 v2, v9;
	v9 =	vmul.f32 v61, v59;
	v59 =	vld [tilespmem:$0x1F210]  }
0x24e: {  	v61 =	vld [tilespmem:$0x1F220]  }
0x24f: {  	v62 =	vld [tilespmem:$0x1F230]  }
0x250: {  	v3 =	vadd.f32 v3, v10;
	v10 =	vmul.f32 v17, v16;
	v16 =	vld [tilespmem:$0x5D80]  }
0x251: {  	v17 =	vld [tilespmem:$0x1F250]  }
0x252: {  	v27 =	vld [tilespmem:$0x1F2D0]  }
0x253: {  	[tilespmem:$0x9400] =	vst v4;
	v4 =	vmul.f32 v24, v43;
	v24 =	vld [tilespmem:$0x5E80]  }
0x254: {  	v7 =	vadd.f32 v7, v11;
	v11 =	vmul.f32 v30, v29;
	v29 =	vld [tilespmem:$0x1F2E0]  }
0x255: {  	v30 =	vld [tilespmem:$0x1F2F0]  }
0x256: {  	v43 =	vld [tilespmem:$0x1F390]  }
0x257: {  	[tilespmem:$0x9300] =	vst v2;
	v2 =	vmul.f32 v18, v35;
	v18 =	vld [tilespmem:$0x1F260]  }
0x258: {  	[tilespmem:$0x9380] =	vst v3;
	v3 =	vmul.f32 v21, v39;
	v21 =	vld [tilespmem:$0x1F280]  }
0x259: {  	v5 =	vadd.f32 v5, v9;
	v9 =	vmul.f32 v23, v22;
	v22 =	vld [tilespmem:$0x1F290]  }
0x25a: {  	v23 =	vld [tilespmem:$0x1F2A0]  }
0x25b: {  	v6 =	vadd.f32 v6, v10;
	v10 =	vmul.f32 v26, v25;
	v25 =	vld [tilespmem:$0x1F2B0]  }
0x25c: {  	v26 =	vld [tilespmem:$0x1F2C0]  }
0x25d: {  	v35 =	vld [tilespmem:$0x1F330]  }
0x25e: {  	v39 =	vld [tilespmem:$0x1F360]  }
0x25f: {  	[tilespmem:$0x9580] =	vst v7;
	v7 =	vmul.f32 v36, v55;
	v36 =	vld [tilespmem:$0x6000]  }
0x260: {  	v1 =	vadd.f32 v1, v11;
	v11 =	vmul.f32 v42, v41;
	v41 =	vld [tilespmem:$0x1F370]  }
0x261: {  	v42 =	vld [tilespmem:$0x1F380]  }
0x262: {  	v55 =	vld [tilespmem:$0x1F420]  }
0x263: {  	[tilespmem:$0x9480] =	vst v5;
	v5 =	vmul.f32 v28, v47;
	v28 =	vld [tilespmem:$0x5F00]  }
0x264: {  	[tilespmem:$0x9500] =	vst v6;
	v6 =	vmul.f32 v32, v51;
	v32 =	vld [tilespmem:$0x5F80]  }
0x265: {  	v8 =	vadd.f32 v8, v9;
	v9 =	vmul.f32 v34, v33;
	v33 =	vld [tilespmem:$0x1F310]  }
0x266: {  	v34 =	vld [tilespmem:$0x1F320]  }
0x267: {  	v0 =	vadd.f32 v0, v10;
	v10 =	vmul.f32 v38, v37;
	v37 =	vld [tilespmem:$0x1F340]  }
0x268: {  	v38 =	vld [tilespmem:$0x1F350]  }
0x269: {  	v47 =	vld [tilespmem:$0x1F3C0]  }
0x26a: {  	v51 =	vld [tilespmem:$0x1F3F0]  }
0x26b: {  	[tilespmem:$0x9700] =	vst v1;
	v1 =	vmul.f32 v48, v19;
	v48 =	vld [tilespmem:$0x6180]  }
0x26c: {  	v4 =	vadd.f32 v4, v11;
	v11 =	vmul.f32 v54, v53;
	v53 =	vld [tilespmem:$0x1F400]  }
0x26d: {  	v54 =	vld [tilespmem:$0x1F410]  }
0x26e: {  	v19 =	vld [tilespmem:$0x1F4B0]  }
0x26f: {  	[tilespmem:$0x9600] =	vst v8;
	v8 =	vmul.f32 v40, v59;
	v40 =	vld [tilespmem:$0x6080]  }
0x270: {  	[tilespmem:$0x9680] =	vst v0;
	v0 =	vmul.f32 v44, v63;
	v44 =	vld [tilespmem:$0x6100]  }
0x271: {  	v2 =	vadd.f32 v2, v9;
	v9 =	vmul.f32 v46, v45;
	v45 =	vld [tilespmem:$0x1F3A0]  }
0x272: {  	v46 =	vld [tilespmem:$0x1F3B0]  }
0x273: {  	v3 =	vadd.f32 v3, v10;
	v10 =	vmul.f32 v50, v49;
	v49 =	vld [tilespmem:$0x1F3D0]  }
0x274: {  	v50 =	vld [tilespmem:$0x1F3E0]  }
0x275: {  	v59 =	vld [tilespmem:$0x1F450]  }
0x276: {  	v63 =	vld [tilespmem:$0x1F480]  }
0x277: {  	[tilespmem:$0x9880] =	vst v4;
	v4 =	vmul.f32 v60, v31;
	v60 =	vld [tilespmem:$0x6300]  }
0x278: {  	v7 =	vadd.f32 v7, v11;
	v11 =	vmul.f32 v18, v17;
	v17 =	vld [tilespmem:$0x1F490]  }
0x279: {  	v18 =	vld [tilespmem:$0x1F4A0]  }
0x27a: {  	v31 =	vld [tilespmem:$0x1F540]  }
0x27b: {  	[tilespmem:$0x9780] =	vst v2;
	v2 =	vmul.f32 v52, v23;
	v52 =	vld [tilespmem:$0x6200]  }
0x27c: {  	[tilespmem:$0x9800] =	vst v3;
	v3 =	vmul.f32 v56, v27;
	v56 =	vld [tilespmem:$0x6280]  }
0x27d: {  	v5 =	vadd.f32 v5, v9;
	v9 =	vmul.f32 v58, v57;
	v57 =	vld [tilespmem:$0x1F430]  }
0x27e: {  	v58 =	vld [tilespmem:$0x1F440]  }
0x27f: {  	v6 =	vadd.f32 v6, v10;
	v10 =	vmul.f32 v62, v61;
	v61 =	vld [tilespmem:$0x1F460]  }
0x280: {  	v62 =	vld [tilespmem:$0x1F470]  }
0x281: {  	v23 =	vld [tilespmem:$0x1F4E0]  }
0x282: {  	v27 =	vld [tilespmem:$0x1F510]  }
0x283: {  	[tilespmem:$0x9A00] =	vst v7;
	v7 =	vmul.f32 v24, v43;
	v24 =	vld [tilespmem:$0x6480]  }
0x284: {  	v1 =	vadd.f32 v1, v11;
	v11 =	vmul.f32 v30, v29;
	v29 =	vld [tilespmem:$0x1F520]  }
0x285: {  	v30 =	vld [tilespmem:$0x1F530]  }
0x286: {  	v43 =	vld [tilespmem:$0x1F5D0]  }
0x287: {  	[tilespmem:$0x9900] =	vst v5;
	v5 =	vmul.f32 v16, v35;
	v16 =	vld [tilespmem:$0x6380]  }
0x288: {  	[tilespmem:$0x9980] =	vst v6;
	v6 =	vmul.f32 v20, v39;
	v20 =	vld [tilespmem:$0x6400]  }
0x289: {  	v8 =	vadd.f32 v8, v9;
	v9 =	vmul.f32 v22, v21;
	v21 =	vld [tilespmem:$0x1F4C0]  }
0x28a: {  	v22 =	vld [tilespmem:$0x1F4D0]  }
0x28b: {  	v0 =	vadd.f32 v0, v10;
	v10 =	vmul.f32 v26, v25;
	v25 =	vld [tilespmem:$0x1F4F0]  }
0x28c: {  	v26 =	vld [tilespmem:$0x1F500]  }
0x28d: {  	v35 =	vld [tilespmem:$0x1F570]  }
0x28e: {  	v39 =	vld [tilespmem:$0x1F5A0]  }
0x28f: {  	[tilespmem:$0x9B80] =	vst v1;
	v1 =	vmul.f32 v36, v55;
	v36 =	vld [tilespmem:$0x6600]  }
0x290: {  	v4 =	vadd.f32 v4, v11;
	v11 =	vmul.f32 v42, v41;
	v41 =	vld [tilespmem:$0x1F5B0]  }
0x291: {  	v42 =	vld [tilespmem:$0x1F5C0]  }
0x292: {  	v55 =	vld [tilespmem:$0x1F660]  }
0x293: {  	[tilespmem:$0x9A80] =	vst v8;
	v8 =	vmul.f32 v28, v47;
	v28 =	vld [tilespmem:$0x6500]  }
0x294: {  	[tilespmem:$0x9B00] =	vst v0;
	v0 =	vmul.f32 v32, v51;
	v32 =	vld [tilespmem:$0x6580]  }
0x295: {  	v2 =	vadd.f32 v2, v9;
	v9 =	vmul.f32 v34, v33;
	v33 =	vld [tilespmem:$0x1F550]  }
0x296: {  	v34 =	vld [tilespmem:$0x1F560]  }
0x297: {  	v3 =	vadd.f32 v3, v10;
	v10 =	vmul.f32 v38, v37;
	v37 =	vld [tilespmem:$0x1F580]  }
0x298: {  	v38 =	vld [tilespmem:$0x1F590]  }
0x299: {  	v47 =	vld [tilespmem:$0x1F600]  }
0x29a: {  	v51 =	vld [tilespmem:$0x1F630]  }
0x29b: {  	[tilespmem:$0x9D00] =	vst v4;
	v4 =	vmul.f32 v48, v19;
	v48 =	vld [tilespmem:$0x6780]  }
0x29c: {  	v7 =	vadd.f32 v7, v11;
	v11 =	vmul.f32 v54, v53;
	v53 =	vld [tilespmem:$0x1F640]  }
0x29d: {  	v54 =	vld [tilespmem:$0x1F650]  }
0x29e: {  	v19 =	vld [tilespmem:$0x1F6F0]  }
0x29f: {  	[tilespmem:$0x9C00] =	vst v2;
	v2 =	vmul.f32 v40, v59;
	v40 =	vld [tilespmem:$0x6680]  }
0x2a0: {  	[tilespmem:$0x9C80] =	vst v3;
	v3 =	vmul.f32 v44, v63;
	v44 =	vld [tilespmem:$0x6700]  }
0x2a1: {  	v5 =	vadd.f32 v5, v9;
	v9 =	vmul.f32 v46, v45;
	v45 =	vld [tilespmem:$0x1F5E0]  }
0x2a2: {  	v46 =	vld [tilespmem:$0x1F5F0]  }
0x2a3: {  	v6 =	vadd.f32 v6, v10;
	v10 =	vmul.f32 v50, v49;
	v49 =	vld [tilespmem:$0x1F610]  }
0x2a4: {  	v50 =	vld [tilespmem:$0x1F620]  }
0x2a5: {  	v59 =	vld [tilespmem:$0x1F690]  }
0x2a6: {  	v63 =	vld [tilespmem:$0x1F6C0]  }
0x2a7: {  	[tilespmem:$0x9E80] =	vst v7;
	v7 =	vmul.f32 v60, v31;
	v60 =	vld [tilespmem:$0x6900]  }
0x2a8: {  	v1 =	vadd.f32 v1, v11;
	v11 =	vmul.f32 v18, v17;
	v17 =	vld [tilespmem:$0x1F6D0]  }
0x2a9: {  	v18 =	vld [tilespmem:$0x1F6E0]  }
0x2aa: {  	v31 =	vld [tilespmem:$0x1F780]  }
0x2ab: {  	[tilespmem:$0x9D80] =	vst v5;
	v5 =	vmul.f32 v52, v23;
	v52 =	vld [tilespmem:$0x6800]  }
0x2ac: {  	[tilespmem:$0x9E00] =	vst v6;
	v6 =	vmul.f32 v56, v27;
	v56 =	vld [tilespmem:$0x6880]  }
0x2ad: {  	v8 =	vadd.f32 v8, v9;
	v9 =	vmul.f32 v58, v57;
	v57 =	vld [tilespmem:$0x1F670]  }
0x2ae: {  	v58 =	vld [tilespmem:$0x1F680]  }
0x2af: {  	v0 =	vadd.f32 v0, v10;
	v10 =	vmul.f32 v62, v61;
	v61 =	vld [tilespmem:$0x1F6A0]  }
0x2b0: {  	v62 =	vld [tilespmem:$0x1F6B0]  }
0x2b1: {  	v23 =	vld [tilespmem:$0x1F720]  }
0x2b2: {  	v27 =	vld [tilespmem:$0x1F750]  }
0x2b3: {  	[tilespmem:$0xA000] =	vst v1;
	v1 =	vmul.f32 v24, v43;
	v24 =	vld [tilespmem:$0x6A80]  }
0x2b4: {  	v4 =	vadd.f32 v4, v11;
	v11 =	vmul.f32 v30, v29;
	v29 =	vld [tilespmem:$0x1F760]  }
0x2b5: {  	v30 =	vld [tilespmem:$0x1F770]  }
0x2b6: {  	v43 =	vld [tilespmem:$0x1F810]  }
0x2b7: {  	[tilespmem:$0x9F00] =	vst v8;
	v8 =	vmul.f32 v16, v35;
	v16 =	vld [tilespmem:$0x6980]  }
0x2b8: {  	[tilespmem:$0x9F80] =	vst v0;
	v0 =	vmul.f32 v20, v39;
	v20 =	vld [tilespmem:$0x6A00]  }
0x2b9: {  	v2 =	vadd.f32 v2, v9;
	v9 =	vmul.f32 v22, v21;
	v21 =	vld [tilespmem:$0x1F700]  }
0x2ba: {  	v22 =	vld [tilespmem:$0x1F710]  }
0x2bb: {  	v3 =	vadd.f32 v3, v10;
	v10 =	vmul.f32 v26, v25;
	v25 =	vld [tilespmem:$0x1F730]  }
0x2bc: {  	v26 =	vld [tilespmem:$0x1F740]  }
0x2bd: {  	v35 =	vld [tilespmem:$0x1F7B0]  }
0x2be: {  	v39 =	vld [tilespmem:$0x1F7E0]  }
0x2bf: {  	[tilespmem:$0xA180] =	vst v4;
	v4 =	vmul.f32 v36, v55;
	v36 =	vld [tilespmem:$0x6C00]  }
0x2c0: {  	v7 =	vadd.f32 v7, v11;
	v11 =	vmul.f32 v42, v41;
	v41 =	vld [tilespmem:$0x1F7F0]  }
0x2c1: {  	v42 =	vld [tilespmem:$0x1F800]  }
0x2c2: {  	v55 =	vld [tilespmem:$0x1F8A0]  }
0x2c3: {  	[tilespmem:$0xA080] =	vst v2;
	v2 =	vmul.f32 v28, v47;
	v28 =	vld [tilespmem:$0x6B00]  }
0x2c4: {  	[tilespmem:$0xA100] =	vst v3;
	v3 =	vmul.f32 v32, v51;
	v32 =	vld [tilespmem:$0x6B80]  }
0x2c5: {  	v5 =	vadd.f32 v5, v9;
	v9 =	vmul.f32 v34, v33;
	v33 =	vld [tilespmem:$0x1F790]  }
0x2c6: {  	v34 =	vld [tilespmem:$0x1F7A0]  }
0x2c7: {  	v6 =	vadd.f32 v6, v10;
	v10 =	vmul.f32 v38, v37;
	v37 =	vld [tilespmem:$0x1F7C0]  }
0x2c8: {  	v38 =	vld [tilespmem:$0x1F7D0]  }
0x2c9: {  	v47 =	vld [tilespmem:$0x1F840]  }
0x2ca: {  	v51 =	vld [tilespmem:$0x1F870]  }
0x2cb: {  	[tilespmem:$0xA300] =	vst v7;
	v7 =	vmul.f32 v48, v19;
	v48 =	vld [tilespmem:$0x6D80]  }
0x2cc: {  	v1 =	vadd.f32 v1, v11;
	v11 =	vmul.f32 v54, v53;
	v53 =	vld [tilespmem:$0x1F880]  }
0x2cd: {  	v54 =	vld [tilespmem:$0x1F890]  }
0x2ce: {  	v19 =	vld [tilespmem:$0x1F930]  }
0x2cf: {  	[tilespmem:$0xA200] =	vst v5;
	v5 =	vmul.f32 v40, v59;
	v40 =	vld [tilespmem:$0x6C80]  }
0x2d0: {  	[tilespmem:$0xA280] =	vst v6;
	v6 =	vmul.f32 v44, v63;
	v44 =	vld [tilespmem:$0x6D00]  }
0x2d1: {  	v8 =	vadd.f32 v8, v9;
	v9 =	vmul.f32 v46, v45;
	v45 =	vld [tilespmem:$0x1F820]  }
0x2d2: {  	v46 =	vld [tilespmem:$0x1F830]  }
0x2d3: {  	v0 =	vadd.f32 v0, v10;
	v10 =	vmul.f32 v50, v49;
	v49 =	vld [tilespmem:$0x1F850]  }
0x2d4: {  	v50 =	vld [tilespmem:$0x1F860]  }
0x2d5: {  	v59 =	vld [tilespmem:$0x1F8D0]  }
0x2d6: {  	v63 =	vld [tilespmem:$0x1F900]  }
0x2d7: {  	[tilespmem:$0xA480] =	vst v1;
	v1 =	vmul.f32 v60, v31;
	v60 =	vld [tilespmem:$0x6F00]  }
0x2d8: {  	v4 =	vadd.f32 v4, v11;
	v11 =	vmul.f32 v18, v17;
	v17 =	vld [tilespmem:$0x1F910]  }
0x2d9: {  	v18 =	vld [tilespmem:$0x1F920]  }
0x2da: {  	v31 =	vld [tilespmem:$0x1F9C0]  }
0x2db: {  	[tilespmem:$0xA380] =	vst v8;
	v8 =	vmul.f32 v52, v23;
	v52 =	vld [tilespmem:$0x6E00]  }
0x2dc: {  	[tilespmem:$0xA400] =	vst v0;
	v0 =	vmul.f32 v56, v27;
	v56 =	vld [tilespmem:$0x6E80]  }
0x2dd: {  	v2 =	vadd.f32 v2, v9;
	v9 =	vmul.f32 v58, v57;
	v57 =	vld [tilespmem:$0x1F8B0]  }
0x2de: {  	v58 =	vld [tilespmem:$0x1F8C0]  }
0x2df: {  	v3 =	vadd.f32 v3, v10;
	v10 =	vmul.f32 v62, v61;
	v61 =	vld [tilespmem:$0x1F8E0]  }
0x2e0: {  	v62 =	vld [tilespmem:$0x1F8F0]  }
0x2e1: {  	v23 =	vld [tilespmem:$0x1F960]  }
0x2e2: {  	v27 =	vld [tilespmem:$0x1F990]  }
0x2e3: {  	[tilespmem:$0xA600] =	vst v4;
	v4 =	vmul.f32 v24, v43;
	v24 =	vld [tilespmem:$0x7080]  }
0x2e4: {  	v7 =	vadd.f32 v7, v11;
	v11 =	vmul.f32 v30, v29;
	v29 =	vld [tilespmem:$0x1F9A0]  }
0x2e5: {  	v30 =	vld [tilespmem:$0x1F9B0]  }
0x2e6: {  	v43 =	vld [tilespmem:$0x1FA50]  }
0x2e7: {  	[tilespmem:$0xA500] =	vst v2;
	v2 =	vmul.f32 v16, v35;
	v16 =	vld [tilespmem:$0x6F80]  }
0x2e8: {  	[tilespmem:$0xA580] =	vst v3;
	v3 =	vmul.f32 v20, v39;
	v20 =	vld [tilespmem:$0x7000]  }
0x2e9: {  	v5 =	vadd.f32 v5, v9;
	v9 =	vmul.f32 v22, v21;
	v21 =	vld [tilespmem:$0x1F940]  }
0x2ea: {  	v22 =	vld [tilespmem:$0x1F950]  }
0x2eb: {  	v6 =	vadd.f32 v6, v10;
	v10 =	vmul.f32 v26, v25;
	v25 =	vld [tilespmem:$0x1F970]  }
0x2ec: {  	v26 =	vld [tilespmem:$0x1F980]  }
0x2ed: {  	v35 =	vld [tilespmem:$0x1F9F0]  }
0x2ee: {  	v39 =	vld [tilespmem:$0x1FA20]  }
0x2ef: {  	[tilespmem:$0xA780] =	vst v7;
	v7 =	vmul.f32 v36, v55;
	v36 =	vld [tilespmem:$0x7200]  }
0x2f0: {  	v1 =	vadd.f32 v1, v11;
	v11 =	vmul.f32 v42, v41;
	v41 =	vld [tilespmem:$0x1FA30]  }
0x2f1: {  	v42 =	vld [tilespmem:$0x1FA40]  }
0x2f2: {  	v55 =	vld [tilespmem:$0x1FAE0]  }
0x2f3: {  	[tilespmem:$0xA680] =	vst v5;
	v5 =	vmul.f32 v28, v47;
	v28 =	vld [tilespmem:$0x7100]  }
0x2f4: {  	[tilespmem:$0xA700] =	vst v6;
	v6 =	vmul.f32 v32, v51;
	v32 =	vld [tilespmem:$0x7180]  }
0x2f5: {  	v8 =	vadd.f32 v8, v9;
	v9 =	vmul.f32 v34, v33;
	v33 =	vld [tilespmem:$0x1F9D0]  }
0x2f6: {  	v34 =	vld [tilespmem:$0x1F9E0]  }
0x2f7: {  	v0 =	vadd.f32 v0, v10;
	v10 =	vmul.f32 v38, v37;
	v37 =	vld [tilespmem:$0x1FA00]  }
0x2f8: {  	v38 =	vld [tilespmem:$0x1FA10]  }
0x2f9: {  	v47 =	vld [tilespmem:$0x1FA80]  }
0x2fa: {  	v51 =	vld [tilespmem:$0x1FAB0]  }
0x2fb: {  	[tilespmem:$0xA900] =	vst v1;
	v1 =	vmul.f32 v48, v19;
	v48 =	vld [tilespmem:$0x7380]  }
0x2fc: {  	v4 =	vadd.f32 v4, v11;
	v11 =	vmul.f32 v54, v53;
	v53 =	vld [tilespmem:$0x1FAC0]  }
0x2fd: {  	v54 =	vld [tilespmem:$0x1FAD0]  }
0x2fe: {  	v19 =	vld [tilespmem:$0x1FB70]  }
0x2ff: {  	[tilespmem:$0xA800] =	vst v8;
	v8 =	vmul.f32 v40, v59;
	v40 =	vld [tilespmem:$0x7280]  }
0x300: {  	[tilespmem:$0xA880] =	vst v0;
	v0 =	vmul.f32 v44, v63;
	v44 =	vld [tilespmem:$0x7300]  }
0x301: {  	v2 =	vadd.f32 v2, v9;
	v9 =	vmul.f32 v46, v45;
	v45 =	vld [tilespmem:$0x1FA60]  }
0x302: {  	v46 =	vld [tilespmem:$0x1FA70]  }
0x303: {  	v3 =	vadd.f32 v3, v10;
	v10 =	vmul.f32 v50, v49;
	v49 =	vld [tilespmem:$0x1FA90]  }
0x304: {  	v50 =	vld [tilespmem:$0x1FAA0]  }
0x305: {  	v59 =	vld [tilespmem:$0x1FB10]  }
0x306: {  	v63 =	vld [tilespmem:$0x1FB40]  }
0x307: {  	[tilespmem:$0xAA80] =	vst v4;
	v4 =	vmul.f32 v60, v31;
	v60 =	vld [tilespmem:$0x7500]  }
0x308: {  	v7 =	vadd.f32 v7, v11;
	v11 =	vmul.f32 v18, v17;
	v17 =	vld [tilespmem:$0x1FB50]  }
0x309: {  	v18 =	vld [tilespmem:$0x1FB60]  }
0x30a: {  	v31 =	vld [tilespmem:$0x1FC00]  }
0x30b: {  	[tilespmem:$0xA980] =	vst v2;
	v2 =	vmul.f32 v52, v23;
	v52 =	vld [tilespmem:$0x7400]  }
0x30c: {  	[tilespmem:$0xAA00] =	vst v3;
	v3 =	vmul.f32 v56, v27;
	v56 =	vld [tilespmem:$0x7480]  }
0x30d: {  	v5 =	vadd.f32 v5, v9;
	v9 =	vmul.f32 v58, v57;
	v57 =	vld [tilespmem:$0x1FAF0]  }
0x30e: {  	v58 =	vld [tilespmem:$0x1FB00]  }
0x30f: {  	v6 =	vadd.f32 v6, v10;
	v10 =	vmul.f32 v62, v61;
	v61 =	vld [tilespmem:$0x1FB20]  }
0x310: {  	v62 =	vld [tilespmem:$0x1FB30]  }
0x311: {  	v23 =	vld [tilespmem:$0x1FBA0]  }
0x312: {  	v27 =	vld [tilespmem:$0x1FBD0]  }
0x313: {  	[tilespmem:$0xAC00] =	vst v7;
	v7 =	vmul.f32 v24, v43;
	v24 =	vld [tilespmem:$0x7680]  }
0x314: {  	v1 =	vadd.f32 v1, v11;
	v11 =	vmul.f32 v30, v29;
	v29 =	vld [tilespmem:$0x1FBE0]  }
0x315: {  	v30 =	vld [tilespmem:$0x1FBF0]  }
0x316: {  	v43 =	vld [tilespmem:$0x1FC90]  }
0x317: {  	[tilespmem:$0xAB00] =	vst v5;
	v5 =	vmul.f32 v16, v35;
	v16 =	vld [tilespmem:$0x7580]  }
0x318: {  	[tilespmem:$0xAB80] =	vst v6;
	v6 =	vmul.f32 v20, v39;
	v20 =	vld [tilespmem:$0x7600]  }
0x319: {  	v8 =	vadd.f32 v8, v9;
	v9 =	vmul.f32 v22, v21;
	v21 =	vld [tilespmem:$0x1FB80]  }
0x31a: {  	v22 =	vld [tilespmem:$0x1FB90]  }
0x31b: {  	v0 =	vadd.f32 v0, v10;
	v10 =	vmul.f32 v26, v25;
	v25 =	vld [tilespmem:$0x1FBB0]  }
0x31c: {  	v26 =	vld [tilespmem:$0x1FBC0]  }
0x31d: {  	v35 =	vld [tilespmem:$0x1FC30]  }
0x31e: {  	v39 =	vld [tilespmem:$0x1FC60]  }
0x31f: {  	[tilespmem:$0xAD80] =	vst v1;
	v1 =	vmul.f32 v36, v55;
	v36 =	vld [tilespmem:$0x7800]  }
0x320: {  	v4 =	vadd.f32 v4, v11;
	v11 =	vmul.f32 v42, v41;
	v41 =	vld [tilespmem:$0x1FC70]  }
0x321: {  	v42 =	vld [tilespmem:$0x1FC80]  }
0x322: {  	v55 =	vld [tilespmem:$0x1FD20]  }
0x323: {  	[tilespmem:$0xAC80] =	vst v8;
	v8 =	vmul.f32 v28, v47;
	v28 =	vld [tilespmem:$0x7700]  }
0x324: {  	[tilespmem:$0xAD00] =	vst v0;
	v0 =	vmul.f32 v32, v51;
	v32 =	vld [tilespmem:$0x7780]  }
0x325: {  	v2 =	vadd.f32 v2, v9;
	v9 =	vmul.f32 v34, v33;
	v33 =	vld [tilespmem:$0x1FC10]  }
0x326: {  	v34 =	vld [tilespmem:$0x1FC20]  }
0x327: {  	v3 =	vadd.f32 v3, v10;
	v10 =	vmul.f32 v38, v37;
	v37 =	vld [tilespmem:$0x1FC40]  }
0x328: {  	v38 =	vld [tilespmem:$0x1FC50]  }
0x329: {  	v47 =	vld [tilespmem:$0x1FCC0]  }
0x32a: {  	v51 =	vld [tilespmem:$0x1FCF0]  }
0x32b: {  	[tilespmem:$0xAF00] =	vst v4;
	v4 =	vmul.f32 v48, v19;
	v48 =	vld [tilespmem:$0x7980]  }
0x32c: {  	v7 =	vadd.f32 v7, v11;
	v11 =	vmul.f32 v54, v53;
	v53 =	vld [tilespmem:$0x1FD00]  }
0x32d: {  	v54 =	vld [tilespmem:$0x1FD10]  }
0x32e: {  	v19 =	vld [tilespmem:$0x1FDB0]  }
0x32f: {  	[tilespmem:$0xAE00] =	vst v2;
	v2 =	vmul.f32 v40, v59;
	v40 =	vld [tilespmem:$0x7880]  }
0x330: {  	[tilespmem:$0xAE80] =	vst v3;
	v3 =	vmul.f32 v44, v63;
	v44 =	vld [tilespmem:$0x7900]  }
0x331: {  	v5 =	vadd.f32 v5, v9;
	v9 =	vmul.f32 v46, v45;
	v45 =	vld [tilespmem:$0x1FCA0]  }
0x332: {  	v46 =	vld [tilespmem:$0x1FCB0]  }
0x333: {  	v6 =	vadd.f32 v6, v10;
	v10 =	vmul.f32 v50, v49;
	v49 =	vld [tilespmem:$0x1FCD0]  }
0x334: {  	v50 =	vld [tilespmem:$0x1FCE0]  }
0x335: {  	v59 =	vld [tilespmem:$0x1FD50]  }
0x336: {  	v63 =	vld [tilespmem:$0x1FD80]  }
0x337: {  	[tilespmem:$0xB080] =	vst v7;
	v7 =	vmul.f32 v60, v31;
	v60 =	vld [tilespmem:$0x7B00]  }
0x338: {  	v1 =	vadd.f32 v1, v11;
	v11 =	vmul.f32 v18, v17;
	v17 =	vld [tilespmem:$0x1FD90]  }
0x339: {  	v18 =	vld [tilespmem:$0x1FDA0]  }
0x33a: {  	v31 =	vld [tilespmem:$0x1FE40]  }
0x33b: {  	[tilespmem:$0xAF80] =	vst v5;
	v5 =	vmul.f32 v52, v23;
	v52 =	vld [tilespmem:$0x7A00]  }
0x33c: {  	[tilespmem:$0xB000] =	vst v6;
	v6 =	vmul.f32 v56, v27;
	v56 =	vld [tilespmem:$0x7A80]  }
0x33d: {  	v8 =	vadd.f32 v8, v9;
	v9 =	vmul.f32 v58, v57;
	v57 =	vld [tilespmem:$0x1FD30]  }
0x33e: {  	v58 =	vld [tilespmem:$0x1FD40]  }
0x33f: {  	v0 =	vadd.f32 v0, v10;
	v10 =	vmul.f32 v62, v61;
	v61 =	vld [tilespmem:$0x1FD60]  }
0x340: {  	v62 =	vld [tilespmem:$0x1FD70]  }
0x341: {  	v23 =	vld [tilespmem:$0x1FDE0]  }
0x342: {  	v27 =	vld [tilespmem:$0x1FE10]  }
0x343: {  	[tilespmem:$0xB200] =	vst v1;
	v1 =	vmul.f32 v24, v43;
	v24 =	vld [tilespmem:$0x7C80]  }
0x344: {  	v4 =	vadd.f32 v4, v11;
	v11 =	vmul.f32 v30, v29;
	v29 =	vld [tilespmem:$0x1FE20]  }
0x345: {  	v30 =	vld [tilespmem:$0x1FE30]  }
0x346: {  	v43 =	vld [tilespmem:$0x1FED0]  }
0x347: {  	[tilespmem:$0xB100] =	vst v8;
	v8 =	vmul.f32 v16, v35;
	v16 =	vld [tilespmem:$0x7B80]  }
0x348: {  	[tilespmem:$0xB180] =	vst v0;
	v0 =	vmul.f32 v20, v39;
	v20 =	vld [tilespmem:$0x7C00]  }
0x349: {  	v2 =	vadd.f32 v2, v9;
	v9 =	vmul.f32 v22, v21;
	v21 =	vld [tilespmem:$0x1FDC0]  }
0x34a: {  	v22 =	vld [tilespmem:$0x1FDD0]  }
0x34b: {  	v3 =	vadd.f32 v3, v10;
	v10 =	vmul.f32 v26, v25;
	v25 =	vld [tilespmem:$0x1FDF0]  }
0x34c: {  	v26 =	vld [tilespmem:$0x1FE00]  }
0x34d: {  	v35 =	vld [tilespmem:$0x1FE70]  }
0x34e: {  	v39 =	vld [tilespmem:$0x1FEA0]  }
0x34f: {  	[tilespmem:$0xB380] =	vst v4;
	v4 =	vmul.f32 v36, v55;
	v36 =	vld [tilespmem:$0x7E00]  }
0x350: {  	v7 =	vadd.f32 v7, v11;
	v11 =	vmul.f32 v42, v41;
	v41 =	vld [tilespmem:$0x1FEB0]  }
0x351: {  	v42 =	vld [tilespmem:$0x1FEC0]  }
0x352: {  	v55 =	vld [tilespmem:$0x1FF70]  }
0x353: {  	[tilespmem:$0xB280] =	vst v2;
	v2 =	vmul.f32 v28, v47;
	v28 =	vld [tilespmem:$0x7D00]  }
0x354: {  	[tilespmem:$0xB300] =	vst v3;
	v3 =	vmul.f32 v32, v51;
	v32 =	vld [tilespmem:$0x7D80]  }
0x355: {  	v5 =	vadd.f32 v5, v9;
	v9 =	vmul.f32 v34, v33;
	v33 =	vld [tilespmem:$0x1FE50]  }
0x356: {  	v34 =	vld [tilespmem:$0x1FE60]  }
0x357: {  	v6 =	vadd.f32 v6, v10;
	v10 =	vmul.f32 v38, v37;
	v37 =	vld [tilespmem:$0x1FE80]  }
0x358: {  	v38 =	vld [tilespmem:$0x1FE90]  }
0x359: {  	v47 =	vld [tilespmem:$0x1FF00]  }
0x35a: {  	v51 =	vld [tilespmem:$0x1FF30]  }
0x35b: {  	[tilespmem:$0xB500] =	vst v7;
	v7 =	vmul.f32 v48, v19;
	v48 =	vld [tilespmem:$0x7F80]  }
0x35c: {  	v1 =	vadd.f32 v1, v11;
	v11 =	vmul.f32 v54, v53;
	v53 =	vld [tilespmem:$0x1FF50]  }
0x35d: {  	v54 =	vld [tilespmem:$0x1FF60]  }
0x35e: {  	[tilespmem:$0xB400] =	vst v5;
	v5 =	vmul.f32 v40, v59;
	v40 =	vld [tilespmem:$0x7E80]  }
0x35f: {  	[tilespmem:$0xB480] =	vst v6;
	v6 =	vmul.f32 v44, v63;
	v44 =	vld [tilespmem:$0x7F00]  }
0x360: {  	v8 =	vadd.f32 v8, v9;
	v9 =	vmul.f32 v46, v45;
	v45 =	vld [tilespmem:$0x1FEE0]  }
0x361: {  	v0 =	vadd.f32 v0, v10;
	v46 =	vld [tilespmem:$0x1FEF0];
	[tilespmem:$0xB680] =	vst v1  }
0x362: {  	v10 =	vmul.f32 v50, v49;
	v49 =	vld [tilespmem:$0x1FF10];
	v4 =	vadd.f32 v4, v11;
	[tilespmem:$0xB580] =	vst v8  }
0x363: {  	v50 =	vld [tilespmem:$0x1FF20];
	v11 =	vmul.f32 v18, v17;
	v2 =	vadd.f32 v2, v9;
	[tilespmem:$0xB600] =	vst v0  }
0x364: {  	v59 =	vld [tilespmem:$0x1FFB0];
	v9 =	vmul.f32 v58, v57;
	v3 =	vadd.f32 v3, v10;
	[tilespmem:$0xB800] =	vst v4  }
0x365: {  	v63 =	vld [tilespmem:$0x1FFF0];
	v10 =	vmul.f32 v62, v61;
	v7 =	vadd.f32 v7, v11;
	[tilespmem:$0xB700] =	vst v2  }
0x366: {  	v1 =	vmul.f32 v60, v31;
	v60 =	vld [tilespmem:$0x1FFC0];
	v11 =	vmul.f32 v30, v29;
	v5 =	vadd.f32 v5, v9;
	[tilespmem:$0xB780] =	vst v3  }
0x367: {  	v8 =	vmul.f32 v52, v23;
	v52 =	vld [tilespmem:$0x1FF40];
	v9 =	vmul.f32 v22, v21;
	v6 =	vadd.f32 v6, v10;
	[tilespmem:$0xB980] =	vst v7  }
0x368: {  	v0 =	vmul.f32 v56, v27;
	v56 =	vld [tilespmem:$0x1FF80];
	v10 =	vmul.f32 v26, v25;
	v1 =	vadd.f32 v1, v11;
	[tilespmem:$0xB880] =	vst v5  }
0x369: {  	v58 =	vld [tilespmem:$0x1FFA0];
	v4 =	vmul.f32 v24, v43;
	v11 =	vmul.f32 v42, v41;
	v8 =	vadd.f32 v8, v9;
	[tilespmem:$0xB900] =	vst v6  }
0x36a: {  	v57 =	vld [tilespmem:$0x1FF90];
	v2 =	vmul.f32 v16, v35;
	v9 =	vmul.f32 v34, v33;
	v0 =	vadd.f32 v0, v10;
	[tilespmem:$0xBB00] =	vst v1  }
0x36b: {  	v61 =	vld [tilespmem:$0x1FFD0];
	v3 =	vmul.f32 v20, v39;
	v10 =	vmul.f32 v38, v37;
	v4 =	vadd.f32 v4, v11;
	[tilespmem:$0xBA00] =	vst v8  }
0x36c: {  	v62 =	vld [tilespmem:$0x1FFE0];
	v5 =	vmul.f32 v28, v47;
	v2 =	vadd.f32 v2, v9;
	[tilespmem:$0xBA80] =	vst v0;
	v9 =	vmul.f32 v46, v45  }
0x36d: {  	v6 =	vmul.f32 v32, v51;
	v3 =	vadd.f32 v3, v10;
	v10 =	vmul.f32 v50, v49;
	[tilespmem:$0xBC80] =	vst v4  }
0x36e: {  	v0 =	vmul.f32 v44, v60;
	v4 =	vmul.f32 v59, v58;
	[tilespmem:$0xBB80] =	vst v2;
	v5 =	vadd.f32 v5, v9  }
0x36f: {  	v7 =	vmul.f32 v36, v54;
	v2 =	vmul.f32 v53, v52;
	[tilespmem:$0xBC00] =	vst v3;
	v6 =	vadd.f32 v6, v10  }
0x370: {  	v8 =	vmul.f32 v40, v57;
	v3 =	vmul.f32 v56, v55;
	v0 =	vadd.f32 v0, v4;
	[tilespmem:$0xBD00] =	vst v5  }
0x371: {  	v1 =	vmul.f32 v48, v63;
	v2 =	vadd.f32 v7, v2;
	v5 =	vmul.f32 v62, v61;
	[tilespmem:$0xBD80] =	vst v6  }
0x372: {  	v3 =	vadd.f32 v8, v3;
	[tilespmem:$0xBF00] =	vst v0  }
0x373: {  	[tilespmem:$0xBE00] =	vst v2;
	v1 =	vadd.f32 v1, v5  }
0x374: {  	p0 =	sne.s32 s9, $0x1;
	[tilespmem:$0xBE80] =	vst v3  }
.Ltmp0:
0x375: {  	[tilespmem:$0xBF80] =	vst v1;
	(pc) =	sbr.rel @p0 .LBB2_1-.Ltmp0, $4  }
0x376: {  	[hbm4b:s8+s2] =	stream.linear.scatter [tilespmem:s18], [sflag:$0x2], $0x4000, $0x38;
	[tilespmem:$0x14100] =	vst v63  }
0x377: {  	_ =	swait.ge [sflag:s11], $0x4000  }
0x378: {  	[sflag:s11] =	ssyncset.done $0x0  }
0x379: {  	s9 =	sadd.s32 $0xFFFFFFFF, s9;
	[sflag:s11] =	ssyncadd.s32 $0xFFFFC000  }
0x37a: {  	_ =	sfence.sel $0x180000  }
0x37b: {  	[bflag:$0x0] =	sbarrier.arrive $0xFFFF  }
0x37c: {  	p0 =	sne.s32 s1, $0x0;
	_ =	strace $0x9000004A  }
0x37d: {  	s0 =	sadd.s32 @!p0 $0x100000, s0;
	[bflag:$0x2] =	sbarrier.arrive $0xFFFF  }
0x37e: {  	[sflag:s0] =	ssyncadd.tile.s32 @!p0 $0x1;
	_ =	shalt  }
.Lfunc_end2:
_tile_overlayer_lowered:
.L_overlay_start_2:
0x37f: {  	(tag) =	ssettag $0x2  }
0x380: {  	s0 =	rddreg [dreg:$0x0];
	s2 =	stileid.u32  }
0x381: {  	s1 =	rddreg [dreg:$0x1];
	p0 =	sne.s32 s2, $0x0  }
0x382: {  	s3 =	rddreg [dreg:$0x2];
	[bflag:$0x3] =	sbarrier.arrive $0xFFFF;
	s2 =	simm.s32 @!p0 $0x1C02  }
0x383: {  	[timem:s3], [sflag:s2] =	dma.local @!p0 [hbm:s0], s1  }
0x384: {  	s0 =	simm.s32 @!p0 $0x2  }
0x385: {  	_ =	swait.ge @!p0 [sflag:s0], s1  }
0x386: {  	s1 =	ssub.s32 @!p0 $0x0, s1;
	[sflag:s0] =	ssyncset.done @!p0 $0x0  }
0x387: {  	[sflag:s0] =	ssyncadd.s32 @!p0 s1  }
0x388: {  	[bflag:$0x3] =	sbarrier.arrive $0xFFFF  }
0x389: {  	_ =	shalt  }

</sc_bundles>
